<compile_context>
chip_gen: v7x
topology: tpu7x:2x2x1
jax: 0.10.2.dev20260603
libtpu: 0.0.44.dev20260713+nightly
codegen_flags: <defaults>
</compile_context>

<pallas_src>
import functools

import jax
import jax.numpy as jnp
from jax import lax
from jax.experimental import pallas as pl
from jax.experimental.pallas import tpu as pltpu
from jax.experimental.pallas import tpu_sc as plsc

_BATCH = 1024
_N = 100000
_F = 32
_INV_TEMP = 20.0
_SHIFT = 20.0

_BLK = 8192
_NBLK = 12
_TBLK = 2048
_TIDX = 48

_NC = 2
_NS = 16
_NW = _NC * _NS
_BPW = _BATCH // _NW
_REG = 16


def _sc_gather128(idx, table, shift, out_dtype):
    mesh = plsc.VectorSubcoreMesh(core_axis_name="c", subcore_axis_name="s")

    @functools.partial(
        pl.kernel,
        mesh=mesh,
        out_type=jax.ShapeDtypeStruct((_BATCH, 128), out_dtype),
        scratch_types=[
            pltpu.VMEM((_BPW,), jnp.int32),
            pltpu.VMEM((_BPW,), jnp.int32),
            pltpu.VMEM((_BPW, 128), out_dtype),
            pltpu.SemaphoreType.DMA,
        ],
    )
    def k(idx_hbm, tab_hbm, out_hbm, idx_v, q_v, rows_v, sem):
        wid = lax.axis_index("s") * _NC + lax.axis_index("c")
        base = wid * _BPW
        pltpu.sync_copy(idx_hbm.at[pl.ds(base, _BPW)], idx_v)

        @pl.loop(0, _BPW, step=_REG)
        def _(j):
            sl = pl.ds(j, _REG)
            q_v.at[sl][...] = lax.shift_right_logical(idx_v.at[sl][...], shift)

        pltpu.async_copy(tab_hbm.at[q_v], rows_v, sem).wait()
        pltpu.sync_copy(rows_v, out_hbm.at[pl.ds(base, _BPW)])

    return k(idx, table)


def _extract_t(lab, idx):
    r = idx & 127
    col = lax.broadcasted_iota(jnp.int32, (_BATCH, 128), 1)
    return jnp.sum(jnp.where(col == r, lab, 0), axis=1, keepdims=True)


def _lane_chunk_sum(e, width):
    s = e[:, 0:128]
    for c in range(1, width // 128):
        s = s + e[:, 128 * c:128 * (c + 1)]
    return s


def _pick_chunks(logits, p, width):
    pcb = lax.shift_right_arithmetic(p, 7) + jnp.zeros((_BATCH, 128),
                                                       jnp.int32)
    pk = jnp.where(pcb == 0, logits[:, 0:128], 0.0)
    for c in range(1, width // 128):
        pk = jnp.where(pcb == c, logits[:, 128 * c:128 * (c + 1)], pk)
    return pk


def _tc_main_body(inp_ref, feat_ref, lab_ref, idx_ref, acc_ref, pick_ref,
                  t_ref):
    i = pl.program_id(0)

    @pl.when(i == 0)
    def _():
        t_ref[...] = _extract_t(lab_ref[...], idx_ref[...])

    inp = (inp_ref[...] * _INV_TEMP).astype(jnp.bfloat16)
    logits = lax.dot_general(
        inp, feat_ref[...].astype(jnp.bfloat16),
        dimension_numbers=(((1,), (0,)), ((), ())),
        preferred_element_type=jnp.float32,
    )
    s = _lane_chunk_sum(jnp.exp(logits - _SHIFT), _BLK)
    pk = _pick_chunks(logits, t_ref[...] - i * _BLK, _BLK)

    @pl.when(i == 0)
    def _():
        acc_ref[...] = s
        pick_ref[...] = pk

    @pl.when(i > 0)
    def _():
        acc_ref[...] += s
        pick_ref[...] += pk


def _tc_main(inputs, featT, labrows, idx2d):
    return pl.pallas_call(
        _tc_main_body,
        grid=(_NBLK,),
        in_specs=[
            pl.BlockSpec((_BATCH, _F), lambda i: (0, 0)),
            pl.BlockSpec((_F, _BLK), lambda i: (0, i)),
            pl.BlockSpec((_BATCH, 128), lambda i: (0, 0)),
            pl.BlockSpec((_BATCH, 1), lambda i: (0, 0)),
        ],
        out_specs=[
            pl.BlockSpec((_BATCH, 128), lambda i: (0, 0)),
            pl.BlockSpec((_BATCH, 128), lambda i: (0, 0)),
        ],
        out_shape=[
            jax.ShapeDtypeStruct((_BATCH, 128), jnp.float32),
            jax.ShapeDtypeStruct((_BATCH, 128), jnp.float32),
        ],
        scratch_shapes=[pltpu.VMEM((_BATCH, 1), jnp.int32)],
    )(inputs, featT, labrows, idx2d)


def _tc_finish_body(inp_ref, feat_ref, lab_ref, idx_ref, acc_ref, pick_ref,
                    out_ref):
    t = _extract_t(lab_ref[...], idx_ref[...])

    inp = (inp_ref[...] * _INV_TEMP).astype(jnp.bfloat16)
    logits = lax.dot_general(
        inp, feat_ref[...].astype(jnp.bfloat16),
        dimension_numbers=(((1,), (0,)), ((), ())),
        preferred_element_type=jnp.float32,
    )
    col = _TIDX * _TBLK + lax.broadcasted_iota(jnp.int32, (_BATCH, _TBLK), 1)
    e = jnp.where(col < _N, jnp.exp(logits - _SHIFT), 0.0)
    se = jnp.sum(acc_ref[...] + _lane_chunk_sum(e, _TBLK), axis=1,
                 keepdims=True)
    lse = jnp.log(se) + _SHIFT

    pk = pick_ref[...] + _pick_chunks(logits, t - _TIDX * _TBLK, _TBLK)
    lane = lax.broadcasted_iota(jnp.int32, (_BATCH, 128), 1)
    picked = jnp.sum(jnp.where(lane == (t & 127), pk, 0.0), axis=1,
                     keepdims=True)
    out_ref[...] = jnp.mean(lse - picked)[None, None]


def _tc_finish(inputs, featT, labrows, idx2d, acc, pick):
    return pl.pallas_call(
        _tc_finish_body,
        grid=(1,),
        in_specs=[
            pl.BlockSpec((_BATCH, _F), lambda i: (0, 0)),
            pl.BlockSpec((_F, _TBLK), lambda i: (0, _TIDX)),
            pl.BlockSpec((_BATCH, 128), lambda i: (0, 0)),
            pl.BlockSpec((_BATCH, 1), lambda i: (0, 0)),
            pl.BlockSpec((_BATCH, 128), lambda i: (0, 0)),
            pl.BlockSpec((_BATCH, 128), lambda i: (0, 0)),
        ],
        out_specs=pl.BlockSpec((1, 1), lambda i: (0, 0)),
        out_shape=jax.ShapeDtypeStruct((1, 1), jnp.float32),
    )(inputs, featT, labrows, idx2d, acc, pick)


def kernel(inputs, indices, features, labels):
    labpad = jnp.pad(labels, (0, 782 * 128 - _N)).reshape(782, 128)
    featT = features.T
    idx2d = indices.reshape(_BATCH, 1)
    labrows = _sc_gather128(indices, labpad, 7, jnp.int32)
    acc, pick = _tc_main(inputs, featT, labrows, idx2d)
    loss = _tc_finish(inputs, featT, labrows, idx2d, acc, pick)
    return loss[0, 0]

# --- scband reference (transcript-rebuilt; emitter-appended) ---
"""Pipeline reference for scband-memory-bank-77137612636517 (READ-ONLY COPY).

The authoritative reference and input builder live on the scoring server;
editing this copy changes nothing except your own understanding.
"""

import jax, jax.numpy as jnp
import numpy as np

BATCH = 1024
NUM_SAMPLES = 100000
NUM_FEATS = 32
TEMP = 0.05
MOMENTUM = 0.2


def setup_inputs(seed: int = 0) -> dict:
    key = jax.random.key(seed)
    k1, k2, k3, k4 = jax.random.split(key, 4)
    inputs = jax.random.normal(k1, (BATCH, NUM_FEATS), dtype=jnp.float32)
    inputs = inputs / (jnp.linalg.norm(inputs, axis=1, keepdims=True) + 1e-12)
    indices = jax.random.randint(k2, (BATCH,), 0, NUM_SAMPLES, dtype=jnp.int32)
    # learned/buffer state of the memory bank (registered buffers in torch)
    features = jax.random.normal(k3, (NUM_SAMPLES, NUM_FEATS), dtype=jnp.float32)
    features = features / (jnp.linalg.norm(features, axis=1, keepdims=True) + 1e-12)
    labels = jax.random.randint(k4, (NUM_SAMPLES,), 0, NUM_SAMPLES, dtype=jnp.int32)
    return {"inputs": inputs, "indices": indices, "features": features, "labels": labels}


def reference(inputs, indices, features, labels):
    # UpdateFunction.forward: inputs.mm(features.t())  (memory update happens only in backward)
    logits = inputs @ features.T
    logits = logits / TEMP
    # targets = labels[indices]  (gather from buffer)
    targets = jnp.take(labels, indices, axis=0)
    # F.log_softmax + F.nll_loss (mean reduction)
    logp = jax.nn.log_softmax(logits, axis=1)
    picked = jnp.take_along_axis(logp, targets[:, None].astype(jnp.int32), axis=1)[:, 0]
    loss = -jnp.mean(picked)
    return loss

if __name__ == "__main__":
    import jax
    _d = setup_inputs()
    print(jax.jit(kernel)(*tuple(_d.values())))

</pallas_src>

<mosaic_0001>
#map = affine_map<(d0, d1) -> (0)>
#map1 = affine_map<(d0, d1) -> (0, 0)>
module attributes {stable_mosaic.version = 14 : i64} {
  func.func @k(%arg0: i32, %arg1: i32, %arg2: memref<1024xi32, #tpu.memory_space<hbm>>, %arg3: memref<782x128xi32, #tpu.memory_space<hbm>>, %arg4: memref<1024x128xi32, #tpu.memory_space<hbm>>, %arg5: memref<32xi32, #tpu.memory_space<vmem>>, %arg6: memref<32xi32, #tpu.memory_space<vmem>>, %arg7: memref<32x128xi32, #tpu.memory_space<vmem>>, %arg8: memref<!tpu.dma_semaphore, #tpu.memory_space<semaphore_mem>>) attributes {dimension_semantics = [#tpu.dimension_semantics<core_parallel>, #tpu.dimension_semantics<subcore_parallel>], iteration_bounds = array<i64: 2, 16>, scalar_prefetch = 0 : i64, scratch_operands = 4 : i64, tpu.core_type = #tpu.core_type<sc_vector_subcore>, window_params = [{transform_indices = #map}, {transform_indices = #map1}, {transform_indices = #map1}]} {
    %mul3A = arith.constant 2 : i32
    %mul3A_0 = arith.muli %arg1, %mul3A : i32
    %add3A = arith.addi %mul3A_0, %arg0 : i32
    %mul3A_1 = arith.constant 32 : i32
    %mul3A_2 = arith.muli %add3A, %mul3A_1 : i32
    "tpu.region"() ({
      %run_scoped3A = tpu.sem_alloc : memref<!tpu.dma_semaphore, #tpu.memory_space<semaphore_mem>>
      %dma_start3A_11 = tpu.memref_slice %arg2[%mul3A_2] : memref<1024xi32, #tpu.memory_space<hbm>> -> memref<32xi32, #tpu.memory_space<hbm>>
      %dma_start3A_12 = tpu.memref_slice %arg2[%mul3A_2] : memref<1024xi32, #tpu.memory_space<hbm>> -> memref<32xi32, #tpu.memory_space<hbm>>
      tpu.enqueue_dma source(%dma_start3A_12 : memref<32xi32, #tpu.memory_space<hbm>>) target(%arg5 : memref<32xi32, #tpu.memory_space<vmem>>) target_semaphore(%run_scoped3A : memref<!tpu.dma_semaphore, #tpu.memory_space<semaphore_mem>>)
      %dma_wait3A_13 = tpu.memref_slice %arg2[%mul3A_2] : memref<1024xi32, #tpu.memory_space<hbm>> -> memref<32xi32, #tpu.memory_space<hbm>>
      %dma_wait3A_14 = tpu.memref_slice %arg2[%mul3A_2] : memref<1024xi32, #tpu.memory_space<hbm>> -> memref<32xi32, #tpu.memory_space<hbm>>
      tpu.wait_dma2 semaphore(%run_scoped3A : memref<!tpu.dma_semaphore, #tpu.memory_space<semaphore_mem>>) src(%dma_wait3A_14 : memref<32xi32, #tpu.memory_space<hbm>>) dst(%arg5 : memref<32xi32, #tpu.memory_space<vmem>>)
      tpu.yield
    }) : () -> ()
    %scan3A = arith.constant 0 : i32
    %scan3A_3 = arith.constant 2 : i32
    %scan3A_4 = arith.addi %scan3A, %scan3A_3 : i32
    %scan3A_5 = arith.constant 1 : i32
    scf.for %scan3A_11 = %scan3A to %scan3A_4 step %scan3A_5  : i32 {
      %mul3A_12 = arith.constant 16 : i32
      %mul3A_13 = arith.muli %scan3A_11, %mul3A_12 : i32
      %add3A_14 = arith.constant 0 : i32
      %add3A_15 = arith.addi %add3A_14, %mul3A_13 : i32
      %get3A = arith.index_cast %add3A_15 : i32 to index
      %get3A_16 = tpu.vector_load %arg5[%get3A] {strides = array<i32>} : memref<32xi32, #tpu.memory_space<vmem>>, vector<16xi32>,
      %get3A_17 = vector.shape_cast %get3A_16 : vector<16xi32> to vector<16xi32>
      %shift_right_logical3A = arith.constant 7 : i32
      %shift_right_logical3A_18 = vector.broadcast %shift_right_logical3A : i32 to vector<16xi32>
      %shift_right_logical3A_19 = arith.shrui %get3A_17, %shift_right_logical3A_18 : vector<16xi32>
      %swap3A = arith.index_cast %add3A_15 : i32 to index
      %swap3A_20 = tpu.vector_load %arg6[%swap3A] {strides = array<i32>} : memref<32xi32, #tpu.memory_space<vmem>>, vector<16xi32>,
      %swap3A_21 = vector.shape_cast %swap3A_20 : vector<16xi32> to vector<16xi32>
      %swap3A_22 = vector.shape_cast %shift_right_logical3A_19 : vector<16xi32> to vector<16xi32>
      tpu.vector_store %arg6[%swap3A], %swap3A_22 {strides = array<i32>} : memref<32xi32, #tpu.memory_space<vmem>>, vector<16xi32>,
    }
    %scan3A_6 = arith.constant 2 : i32
    %dma_start3A = arith.constant 0 : i32
    %dma_start3A_7 = arith.constant 0 : i32
    %dma_start3A_8 = tpu.memref_slice %arg3[%dma_start3A, %dma_start3A_7] : memref<782x128xi32, #tpu.memory_space<hbm>> -> memref<782x128xi32, #tpu.memory_space<hbm>>
    tpu.enqueue_indirect_dma source(%dma_start3A_8 : memref<782x128xi32, #tpu.memory_space<hbm>>) target(%arg7 : memref<32x128xi32, #tpu.memory_space<vmem>>) offsets(%arg6 : memref<32xi32, #tpu.memory_space<vmem>>) semaphore(%arg8 : memref<!tpu.dma_semaphore, #tpu.memory_space<semaphore_mem>>)
    %dma_wait3A = arith.constant 0 : i32
    %dma_wait3A_9 = arith.constant 0 : i32
    %dma_wait3A_10 = tpu.memref_slice %arg3[%dma_wait3A, %dma_wait3A_9] : memref<782x128xi32, #tpu.memory_space<hbm>> -> memref<782x128xi32, #tpu.memory_space<hbm>>
    tpu.wait_indirect_dma semaphore(%arg8 : memref<!tpu.dma_semaphore, #tpu.memory_space<semaphore_mem>>) src(%dma_wait3A_10 : memref<782x128xi32, #tpu.memory_space<hbm>>) dst(%arg7 : memref<32x128xi32, #tpu.memory_space<vmem>>)
    "tpu.region"() ({
      %run_scoped3A = tpu.sem_alloc : memref<!tpu.dma_semaphore, #tpu.memory_space<semaphore_mem>>
      %dma_start3A_11 = arith.constant 0 : i32
      %dma_start3A_12 = tpu.memref_slice %arg4[%mul3A_2, %dma_start3A_11] : memref<1024x128xi32, #tpu.memory_space<hbm>> -> memref<32x128xi32, #tpu.memory_space<hbm>>
      %dma_start3A_13 = arith.constant 0 : i32
      %dma_start3A_14 = tpu.memref_slice %arg4[%mul3A_2, %dma_start3A_13] : memref<1024x128xi32, #tpu.memory_space<hbm>> -> memref<32x128xi32, #tpu.memory_space<hbm>>
      tpu.enqueue_dma source(%arg7 : memref<32x128xi32, #tpu.memory_space<vmem>>) target(%dma_start3A_14 : memref<32x128xi32, #tpu.memory_space<hbm>>) target_semaphore(%run_scoped3A : memref<!tpu.dma_semaphore, #tpu.memory_space<semaphore_mem>>)
      %dma_wait3A_15 = arith.constant 0 : i32
      %dma_wait3A_16 = tpu.memref_slice %arg4[%mul3A_2, %dma_wait3A_15] : memref<1024x128xi32, #tpu.memory_space<hbm>> -> memref<32x128xi32, #tpu.memory_space<hbm>>
      %dma_wait3A_17 = arith.constant 0 : i32
      %dma_wait3A_18 = tpu.memref_slice %arg4[%mul3A_2, %dma_wait3A_17] : memref<1024x128xi32, #tpu.memory_space<hbm>> -> memref<32x128xi32, #tpu.memory_space<hbm>>
      tpu.wait_dma2 semaphore(%run_scoped3A : memref<!tpu.dma_semaphore, #tpu.memory_space<semaphore_mem>>) src(%arg7 : memref<32x128xi32, #tpu.memory_space<vmem>>) dst(%dma_wait3A_18 : memref<32x128xi32, #tpu.memory_space<hbm>>)
      tpu.yield
    }) : () -> ()
    return
  }
}

module attributes {stable_mosaic.version = 14 : i64} {
  func.func @_tc_main_body(%arg0: i32, %arg1: memref<1024x32xf32, #tpu.memory_space<vmem>>, %arg2: memref<32x8192xf32, #tpu.memory_space<vmem>>, %arg3: memref<1024x128xi32, #tpu.memory_space<vmem>>, %arg4: memref<1024x1xi32, #tpu.memory_space<vmem>>, %arg5: memref<1024x128xf32, #tpu.memory_space<vmem>>, %arg6: memref<1024x128xf32, #tpu.memory_space<vmem>>, %arg7: memref<1024x1xi32, #tpu.memory_space<vmem>>) attributes {dimension_semantics = [#tpu.dimension_semantics<arbitrary>], iteration_bounds = array<i64: 12>, scalar_prefetch = 0 : i64, scratch_operands = 1 : i64, tpu.core_type = #tpu.core_type<tc>, window_params = [{pipeline_mode = #tpu.pipeline_mode<synchronous>, transform_indices = @transform_0, window_bounds = array<i64: 1024, 32>}, {transform_indices = @transform_1, window_bounds = array<i64: 32, 8192>}, {pipeline_mode = #tpu.pipeline_mode<synchronous>, transform_indices = @transform_2, window_bounds = array<i64: 1024, 128>}, {pipeline_mode = #tpu.pipeline_mode<synchronous>, transform_indices = @transform_3, window_bounds = array<i64: 1024, 1>}, {pipeline_mode = #tpu.pipeline_mode<synchronous>, transform_indices = @transform_4, window_bounds = array<i64: 1024, 128>}, {pipeline_mode = #tpu.pipeline_mode<synchronous>, transform_indices = @transform_5, window_bounds = array<i64: 1024, 128>}]} {
    %eq3A = arith.constant 0 : i32
    %eq3A_0 = arith.cmpi eq, %arg0, %eq3A : i32
    %convert_element_type3A = arith.extui %eq3A_0 : i1 to i32
    %cond3A = arith.constant 0 : i32
    %cond3A_1 = arith.cmpi ne, %convert_element_type3A, %cond3A : i32
    scf.if %cond3A_1 {
      %get3A_480 = arith.constant 0 : index
      %get3A_481 = arith.constant 0 : index
      %get3A_482 = vector.load %arg3[%get3A_480, %get3A_481] : memref<1024x128xi32, #tpu.memory_space<vmem>>, vector<1024x128xi32>
      %get3A_483 = arith.constant 0 : index
      %get3A_484 = arith.constant 0 : index
      %get3A_485 = vector.load %arg4[%get3A_483, %get3A_484] : memref<1024x1xi32, #tpu.memory_space<vmem>>, vector<1024x1xi32>
      %and3A = arith.constant 127 : i32
      %and3A_486 = vector.broadcast %and3A : i32 to vector<1024x1xi32>
      %and3A_487 = arith.andi %get3A_485, %and3A_486 : vector<1024x1xi32>
      %iota3A = tpu.iota {dimensions = array<i32: 1>} : vector<1024x128xi32>
      %eq3A_488 = vector.broadcast %and3A_487 : vector<1024x1xi32> to vector<1024x128xi32>
      %eq3A_489 = arith.cmpi eq, %iota3A, %eq3A_488 : vector<1024x128xi32>
      %jit3A_490 = arith.constant 0 : i32
      %broadcast_in_dim3A_491 = vector.broadcast %jit3A_490 : i32 to vector<1024x128xi32>
      %select_n3A_492 = arith.select %eq3A_489, %get3A_482, %broadcast_in_dim3A_491 : vector<1024x128xi1>, vector<1024x128xi32>
      %reduce_sum3A = arith.constant dense<0> : vector<1024xi32>
      %reduce_sum3A_493 = vector.multi_reduction <add>, %select_n3A_492, %reduce_sum3A [1] : vector<1024x128xi32> to vector<1024xi32>
      %broadcast_in_dim3A_494 = vector.shape_cast %reduce_sum3A_493 : vector<1024xi32> to vector<1024x1xi32>
      %swap3A = arith.constant 0 : index
      %swap3A_495 = arith.constant 0 : index
      %swap3A_496 = vector.load %arg7[%swap3A, %swap3A_495] : memref<1024x1xi32, #tpu.memory_space<vmem>>, vector<1024x1xi32>
      tpu.vector_store %arg7[%swap3A, %swap3A_495], %broadcast_in_dim3A_494 {strides = array<i32>} : memref<1024x1xi32, #tpu.memory_space<vmem>>, vector<1024x1xi32>,
    } else {
    }
    %get3A = arith.constant 0 : index
    %get3A_2 = arith.constant 0 : index
    %get3A_3 = vector.load %arg1[%get3A, %get3A_2] : memref<1024x32xf32, #tpu.memory_space<vmem>>, vector<1024x32xf32>
    %mul3A = arith.constant 2.000000e+01 : f32
    %mul3A_4 = vector.broadcast %mul3A : f32 to vector<1024x32xf32>
    %mul3A_5 = arith.mulf %get3A_3, %mul3A_4 : vector<1024x32xf32>
    %convert_element_type3A_6 = arith.truncf %mul3A_5 : vector<1024x32xf32> to vector<1024x32xbf16>
    %get3A_7 = arith.constant 0 : index
    %get3A_8 = arith.constant 0 : index
    %get3A_9 = vector.load %arg2[%get3A_7, %get3A_8] : memref<32x8192xf32, #tpu.memory_space<vmem>>, vector<32x8192xf32>
    %convert_element_type3A_10 = arith.truncf %get3A_9 : vector<32x8192xf32> to vector<32x8192xbf16>
    %dot_general3A = arith.constant dense<0.000000e+00> : vector<1024x8192xf32>
    %dot_general3A_11 = tpu.matmul %convert_element_type3A_6, %convert_element_type3A_10, %dot_general3A {dimension_numbers = #tpu.dot_dimension_numbers<[1], [0], [0], [1], [0, 0, 1, 1], [], []>, transpose_lhs_hint = false} : vector<1024x32xbf16>, vector<32x8192xbf16>, vector<1024x8192xf32> -> vector<1024x8192xf32>
    %sub3A = arith.constant 2.000000e+01 : f32
    %sub3A_12 = vector.broadcast %sub3A : f32 to vector<1024x8192xf32>
    %sub3A_13 = arith.subf %dot_general3A_11, %sub3A_12 : vector<1024x8192xf32>
    %exp3A = math.exp %sub3A_13 : vector<1024x8192xf32>
    %slice3A = vector.extract_strided_slice %exp3A {offsets = [0, 0], sizes = [1024, 128], strides = [1, 1]} : vector<1024x8192xf32> to vector<1024x128xf32>
    %slice3A_14 = vector.extract_strided_slice %exp3A {offsets = [0, 128], sizes = [1024, 128], strides = [1, 1]} : vector<1024x8192xf32> to vector<1024x128xf32>
    %add3A = arith.addf %slice3A, %slice3A_14 : vector<1024x128xf32>
    %slice3A_15 = vector.extract_strided_slice %exp3A {offsets = [0, 256], sizes = [1024, 128], strides = [1, 1]} : vector<1024x8192xf32> to vector<1024x128xf32>
    %add3A_16 = arith.addf %add3A, %slice3A_15 : vector<1024x128xf32>
    %slice3A_17 = vector.extract_strided_slice %exp3A {offsets = [0, 384], sizes = [1024, 128], strides = [1, 1]} : vector<1024x8192xf32> to vector<1024x128xf32>
    %add3A_18 = arith.addf %add3A_16, %slice3A_17 : vector<1024x128xf32>
    %slice3A_19 = vector.extract_strided_slice %exp3A {offsets = [0, 512], sizes = [1024, 128], strides = [1, 1]} : vector<1024x8192xf32> to vector<1024x128xf32>
    %add3A_20 = arith.addf %add3A_18, %slice3A_19 : vector<1024x128xf32>
    %slice3A_21 = vector.extract_strided_slice %exp3A {offsets = [0, 640], sizes = [1024, 128], strides = [1, 1]} : vector<1024x8192xf32> to vector<1024x128xf32>
    %add3A_22 = arith.addf %add3A_20, %slice3A_21 : vector<1024x128xf32>
    %slice3A_23 = vector.extract_strided_slice %exp3A {offsets = [0, 768], sizes = [1024, 128], strides = [1, 1]} : vector<1024x8192xf32> to vector<1024x128xf32>
    %add3A_24 = arith.addf %add3A_22, %slice3A_23 : vector<1024x128xf32>
    %slice3A_25 = vector.extract_strided_slice %exp3A {offsets = [0, 896], sizes = [1024, 128], strides = [1, 1]} : vector<1024x8192xf32> to vector<1024x128xf32>
    %add3A_26 = arith.addf %add3A_24, %slice3A_25 : vector<1024x128xf32>
    %slice3A_27 = vector.extract_strided_slice %exp3A {offsets = [0, 1024], sizes = [1024, 128], strides = [1, 1]} : vector<1024x8192xf32> to vector<1024x128xf32>
    %add3A_28 = arith.addf %add3A_26, %slice3A_27 : vector<1024x128xf32>
    %slice3A_29 = vector.extract_strided_slice %exp3A {offsets = [0, 1152], sizes = [1024, 128], strides = [1, 1]} : vector<1024x8192xf32> to vector<1024x128xf32>
    %add3A_30 = arith.addf %add3A_28, %slice3A_29 : vector<1024x128xf32>
    %slice3A_31 = vector.extract_strided_slice %exp3A {offsets = [0, 1280], sizes = [1024, 128], strides = [1, 1]} : vector<1024x8192xf32> to vector<1024x128xf32>
    %add3A_32 = arith.addf %add3A_30, %slice3A_31 : vector<1024x128xf32>
    %slice3A_33 = vector.extract_strided_slice %exp3A {offsets = [0, 1408], sizes = [1024, 128], strides = [1, 1]} : vector<1024x8192xf32> to vector<1024x128xf32>
    %add3A_34 = arith.addf %add3A_32, %slice3A_33 : vector<1024x128xf32>
    %slice3A_35 = vector.extract_strided_slice %exp3A {offsets = [0, 1536], sizes = [1024, 128], strides = [1, 1]} : vector<1024x8192xf32> to vector<1024x128xf32>
    %add3A_36 = arith.addf %add3A_34, %slice3A_35 : vector<1024x128xf32>
    %slice3A_37 = vector.extract_strided_slice %exp3A {offsets = [0, 1664], sizes = [1024, 128], strides = [1, 1]} : vector<1024x8192xf32> to vector<1024x128xf32>
    %add3A_38 = arith.addf %add3A_36, %slice3A_37 : vector<1024x128xf32>
    %slice3A_39 = vector.extract_strided_slice %exp3A {offsets = [0, 1792], sizes = [1024, 128], strides = [1, 1]} : vector<1024x8192xf32> to vector<1024x128xf32>
    %add3A_40 = arith.addf %add3A_38, %slice3A_39 : vector<1024x128xf32>
    %slice3A_41 = vector.extract_strided_slice %exp3A {offsets = [0, 1920], sizes = [1024, 128], strides = [1, 1]} : vector<1024x8192xf32> to vector<1024x128xf32>
    %add3A_42 = arith.addf %add3A_40, %slice3A_41 : vector<1024x128xf32>
    %slice3A_43 = vector.extract_strided_slice %exp3A {offsets = [0, 2048], sizes = [1024, 128], strides = [1, 1]} : vector<1024x8192xf32> to vector<1024x128xf32>
    %add3A_44 = arith.addf %add3A_42, %slice3A_43 : vector<1024x128xf32>
    %slice3A_45 = vector.extract_strided_slice %exp3A {offsets = [0, 2176], sizes = [1024, 128], strides = [1, 1]} : vector<1024x8192xf32> to vector<1024x128xf32>
    %add3A_46 = arith.addf %add3A_44, %slice3A_45 : vector<1024x128xf32>
    %slice3A_47 = vector.extract_strided_slice %exp3A {offsets = [0, 2304], sizes = [1024, 128], strides = [1, 1]} : vector<1024x8192xf32> to vector<1024x128xf32>
    %add3A_48 = arith.addf %add3A_46, %slice3A_47 : vector<1024x128xf32>
    %slice3A_49 = vector.extract_strided_slice %exp3A {offsets = [0, 2432], sizes = [1024, 128], strides = [1, 1]} : vector<1024x8192xf32> to vector<1024x128xf32>
    %add3A_50 = arith.addf %add3A_48, %slice3A_49 : vector<1024x128xf32>
    %slice3A_51 = vector.extract_strided_slice %exp3A {offsets = [0, 2560], sizes = [1024, 128], strides = [1, 1]} : vector<1024x8192xf32> to vector<1024x128xf32>
    %add3A_52 = arith.addf %add3A_50, %slice3A_51 : vector<1024x128xf32>
    %slice3A_53 = vector.extract_strided_slice %exp3A {offsets = [0, 2688], sizes = [1024, 128], strides = [1, 1]} : vector<1024x8192xf32> to vector<1024x128xf32>
    %add3A_54 = arith.addf %add3A_52, %slice3A_53 : vector<1024x128xf32>
    %slice3A_55 = vector.extract_strided_slice %exp3A {offsets = [0, 2816], sizes = [1024, 128], strides = [1, 1]} : vector<1024x8192xf32> to vector<1024x128xf32>
    %add3A_56 = arith.addf %add3A_54, %slice3A_55 : vector<1024x128xf32>
    %slice3A_57 = vector.extract_strided_slice %exp3A {offsets = [0, 2944], sizes = [1024, 128], strides = [1, 1]} : vector<1024x8192xf32> to vector<1024x128xf32>
    %add3A_58 = arith.addf %add3A_56, %slice3A_57 : vector<1024x128xf32>
    %slice3A_59 = vector.extract_strided_slice %exp3A {offsets = [0, 3072], sizes = [1024, 128], strides = [1, 1]} : vector<1024x8192xf32> to vector<1024x128xf32>
    %add3A_60 = arith.addf %add3A_58, %slice3A_59 : vector<1024x128xf32>
    %slice3A_61 = vector.extract_strided_slice %exp3A {offsets = [0, 3200], sizes = [1024, 128], strides = [1, 1]} : vector<1024x8192xf32> to vector<1024x128xf32>
    %add3A_62 = arith.addf %add3A_60, %slice3A_61 : vector<1024x128xf32>
    %slice3A_63 = vector.extract_strided_slice %exp3A {offsets = [0, 3328], sizes = [1024, 128], strides = [1, 1]} : vector<1024x8192xf32> to vector<1024x128xf32>
    %add3A_64 = arith.addf %add3A_62, %slice3A_63 : vector<1024x128xf32>
    %slice3A_65 = vector.extract_strided_slice %exp3A {offsets = [0, 3456], sizes = [1024, 128], strides = [1, 1]} : vector<1024x8192xf32> to vector<1024x128xf32>
    %add3A_66 = arith.addf %add3A_64, %slice3A_65 : vector<1024x128xf32>
    %slice3A_67 = vector.extract_strided_slice %exp3A {offsets = [0, 3584], sizes = [1024, 128], strides = [1, 1]} : vector<1024x8192xf32> to vector<1024x128xf32>
    %add3A_68 = arith.addf %add3A_66, %slice3A_67 : vector<1024x128xf32>
    %slice3A_69 = vector.extract_strided_slice %exp3A {offsets = [0, 3712], sizes = [1024, 128], strides = [1, 1]} : vector<1024x8192xf32> to vector<1024x128xf32>
    %add3A_70 = arith.addf %add3A_68, %slice3A_69 : vector<1024x128xf32>
    %slice3A_71 = vector.extract_strided_slice %exp3A {offsets = [0, 3840], sizes = [1024, 128], strides = [1, 1]} : vector<1024x8192xf32> to vector<1024x128xf32>
    %add3A_72 = arith.addf %add3A_70, %slice3A_71 : vector<1024x128xf32>
    %slice3A_73 = vector.extract_strided_slice %exp3A {offsets = [0, 3968], sizes = [1024, 128], strides = [1, 1]} : vector<1024x8192xf32> to vector<1024x128xf32>
    %add3A_74 = arith.addf %add3A_72, %slice3A_73 : vector<1024x128xf32>
    %slice3A_75 = vector.extract_strided_slice %exp3A {offsets = [0, 4096], sizes = [1024, 128], strides = [1, 1]} : vector<1024x8192xf32> to vector<1024x128xf32>
    %add3A_76 = arith.addf %add3A_74, %slice3A_75 : vector<1024x128xf32>
    %slice3A_77 = vector.extract_strided_slice %exp3A {offsets = [0, 4224], sizes = [1024, 128], strides = [1, 1]} : vector<1024x8192xf32> to vector<1024x128xf32>
    %add3A_78 = arith.addf %add3A_76, %slice3A_77 : vector<1024x128xf32>
    %slice3A_79 = vector.extract_strided_slice %exp3A {offsets = [0, 4352], sizes = [1024, 128], strides = [1, 1]} : vector<1024x8192xf32> to vector<1024x128xf32>
    %add3A_80 = arith.addf %add3A_78, %slice3A_79 : vector<1024x128xf32>
    %slice3A_81 = vector.extract_strided_slice %exp3A {offsets = [0, 4480], sizes = [1024, 128], strides = [1, 1]} : vector<1024x8192xf32> to vector<1024x128xf32>
    %add3A_82 = arith.addf %add3A_80, %slice3A_81 : vector<1024x128xf32>
    %slice3A_83 = vector.extract_strided_slice %exp3A {offsets = [0, 4608], sizes = [1024, 128], strides = [1, 1]} : vector<1024x8192xf32> to vector<1024x128xf32>
    %add3A_84 = arith.addf %add3A_82, %slice3A_83 : vector<1024x128xf32>
    %slice3A_85 = vector.extract_strided_slice %exp3A {offsets = [0, 4736], sizes = [1024, 128], strides = [1, 1]} : vector<1024x8192xf32> to vector<1024x128xf32>
    %add3A_86 = arith.addf %add3A_84, %slice3A_85 : vector<1024x128xf32>
    %slice3A_87 = vector.extract_strided_slice %exp3A {offsets = [0, 4864], sizes = [1024, 128], strides = [1, 1]} : vector<1024x8192xf32> to vector<1024x128xf32>
    %add3A_88 = arith.addf %add3A_86, %slice3A_87 : vector<1024x128xf32>
    %slice3A_89 = vector.extract_strided_slice %exp3A {offsets = [0, 4992], sizes = [1024, 128], strides = [1, 1]} : vector<1024x8192xf32> to vector<1024x128xf32>
    %add3A_90 = arith.addf %add3A_88, %slice3A_89 : vector<1024x128xf32>
    %slice3A_91 = vector.extract_strided_slice %exp3A {offsets = [0, 5120], sizes = [1024, 128], strides = [1, 1]} : vector<1024x8192xf32> to vector<1024x128xf32>
    %add3A_92 = arith.addf %add3A_90, %slice3A_91 : vector<1024x128xf32>
    %slice3A_93 = vector.extract_strided_slice %exp3A {offsets = [0, 5248], sizes = [1024, 128], strides = [1, 1]} : vector<1024x8192xf32> to vector<1024x128xf32>
    %add3A_94 = arith.addf %add3A_92, %slice3A_93 : vector<1024x128xf32>
    %slice3A_95 = vector.extract_strided_slice %exp3A {offsets = [0, 5376], sizes = [1024, 128], strides = [1, 1]} : vector<1024x8192xf32> to vector<1024x128xf32>
    %add3A_96 = arith.addf %add3A_94, %slice3A_95 : vector<1024x128xf32>
    %slice3A_97 = vector.extract_strided_slice %exp3A {offsets = [0, 5504], sizes = [1024, 128], strides = [1, 1]} : vector<1024x8192xf32> to vector<1024x128xf32>
    %add3A_98 = arith.addf %add3A_96, %slice3A_97 : vector<1024x128xf32>
    %slice3A_99 = vector.extract_strided_slice %exp3A {offsets = [0, 5632], sizes = [1024, 128], strides = [1, 1]} : vector<1024x8192xf32> to vector<1024x128xf32>
    %add3A_100 = arith.addf %add3A_98, %slice3A_99 : vector<1024x128xf32>
    %slice3A_101 = vector.extract_strided_slice %exp3A {offsets = [0, 5760], sizes = [1024, 128], strides = [1, 1]} : vector<1024x8192xf32> to vector<1024x128xf32>
    %add3A_102 = arith.addf %add3A_100, %slice3A_101 : vector<1024x128xf32>
    %slice3A_103 = vector.extract_strided_slice %exp3A {offsets = [0, 5888], sizes = [1024, 128], strides = [1, 1]} : vector<1024x8192xf32> to vector<1024x128xf32>
    %add3A_104 = arith.addf %add3A_102, %slice3A_103 : vector<1024x128xf32>
    %slice3A_105 = vector.extract_strided_slice %exp3A {offsets = [0, 6016], sizes = [1024, 128], strides = [1, 1]} : vector<1024x8192xf32> to vector<1024x128xf32>
    %add3A_106 = arith.addf %add3A_104, %slice3A_105 : vector<1024x128xf32>
    %slice3A_107 = vector.extract_strided_slice %exp3A {offsets = [0, 6144], sizes = [1024, 128], strides = [1, 1]} : vector<1024x8192xf32> to vector<1024x128xf32>
    %add3A_108 = arith.addf %add3A_106, %slice3A_107 : vector<1024x128xf32>
    %slice3A_109 = vector.extract_strided_slice %exp3A {offsets = [0, 6272], sizes = [1024, 128], strides = [1, 1]} : vector<1024x8192xf32> to vector<1024x128xf32>
    %add3A_110 = arith.addf %add3A_108, %slice3A_109 : vector<1024x128xf32>
    %slice3A_111 = vector.extract_strided_slice %exp3A {offsets = [0, 6400], sizes = [1024, 128], strides = [1, 1]} : vector<1024x8192xf32> to vector<1024x128xf32>
    %add3A_112 = arith.addf %add3A_110, %slice3A_111 : vector<1024x128xf32>
    %slice3A_113 = vector.extract_strided_slice %exp3A {offsets = [0, 6528], sizes = [1024, 128], strides = [1, 1]} : vector<1024x8192xf32> to vector<1024x128xf32>
    %add3A_114 = arith.addf %add3A_112, %slice3A_113 : vector<1024x128xf32>
    %slice3A_115 = vector.extract_strided_slice %exp3A {offsets = [0, 6656], sizes = [1024, 128], strides = [1, 1]} : vector<1024x8192xf32> to vector<1024x128xf32>
    %add3A_116 = arith.addf %add3A_114, %slice3A_115 : vector<1024x128xf32>
    %slice3A_117 = vector.extract_strided_slice %exp3A {offsets = [0, 6784], sizes = [1024, 128], strides = [1, 1]} : vector<1024x8192xf32> to vector<1024x128xf32>
    %add3A_118 = arith.addf %add3A_116, %slice3A_117 : vector<1024x128xf32>
    %slice3A_119 = vector.extract_strided_slice %exp3A {offsets = [0, 6912], sizes = [1024, 128], strides = [1, 1]} : vector<1024x8192xf32> to vector<1024x128xf32>
    %add3A_120 = arith.addf %add3A_118, %slice3A_119 : vector<1024x128xf32>
    %slice3A_121 = vector.extract_strided_slice %exp3A {offsets = [0, 7040], sizes = [1024, 128], strides = [1, 1]} : vector<1024x8192xf32> to vector<1024x128xf32>
    %add3A_122 = arith.addf %add3A_120, %slice3A_121 : vector<1024x128xf32>
    %slice3A_123 = vector.extract_strided_slice %exp3A {offsets = [0, 7168], sizes = [1024, 128], strides = [1, 1]} : vector<1024x8192xf32> to vector<1024x128xf32>
    %add3A_124 = arith.addf %add3A_122, %slice3A_123 : vector<1024x128xf32>
    %slice3A_125 = vector.extract_strided_slice %exp3A {offsets = [0, 7296], sizes = [1024, 128], strides = [1, 1]} : vector<1024x8192xf32> to vector<1024x128xf32>
    %add3A_126 = arith.addf %add3A_124, %slice3A_125 : vector<1024x128xf32>
    %slice3A_127 = vector.extract_strided_slice %exp3A {offsets = [0, 7424], sizes = [1024, 128], strides = [1, 1]} : vector<1024x8192xf32> to vector<1024x128xf32>
    %add3A_128 = arith.addf %add3A_126, %slice3A_127 : vector<1024x128xf32>
    %slice3A_129 = vector.extract_strided_slice %exp3A {offsets = [0, 7552], sizes = [1024, 128], strides = [1, 1]} : vector<1024x8192xf32> to vector<1024x128xf32>
    %add3A_130 = arith.addf %add3A_128, %slice3A_129 : vector<1024x128xf32>
    %slice3A_131 = vector.extract_strided_slice %exp3A {offsets = [0, 7680], sizes = [1024, 128], strides = [1, 1]} : vector<1024x8192xf32> to vector<1024x128xf32>
    %add3A_132 = arith.addf %add3A_130, %slice3A_131 : vector<1024x128xf32>
    %slice3A_133 = vector.extract_strided_slice %exp3A {offsets = [0, 7808], sizes = [1024, 128], strides = [1, 1]} : vector<1024x8192xf32> to vector<1024x128xf32>
    %add3A_134 = arith.addf %add3A_132, %slice3A_133 : vector<1024x128xf32>
    %slice3A_135 = vector.extract_strided_slice %exp3A {offsets = [0, 7936], sizes = [1024, 128], strides = [1, 1]} : vector<1024x8192xf32> to vector<1024x128xf32>
    %add3A_136 = arith.addf %add3A_134, %slice3A_135 : vector<1024x128xf32>
    %slice3A_137 = vector.extract_strided_slice %exp3A {offsets = [0, 8064], sizes = [1024, 128], strides = [1, 1]} : vector<1024x8192xf32> to vector<1024x128xf32>
    %add3A_138 = arith.addf %add3A_136, %slice3A_137 : vector<1024x128xf32>
    %get3A_139 = arith.constant 0 : index
    %get3A_140 = arith.constant 0 : index
    %get3A_141 = vector.load %arg7[%get3A_139, %get3A_140] : memref<1024x1xi32, #tpu.memory_space<vmem>>, vector<1024x1xi32>
    %mul3A_142 = arith.constant 8192 : i32
    %mul3A_143 = arith.muli %arg0, %mul3A_142 : i32
    %sub3A_144 = vector.broadcast %mul3A_143 : i32 to vector<1024x1xi32>
    %sub3A_145 = arith.subi %get3A_141, %sub3A_144 : vector<1024x1xi32>
    %shift_right_arithmetic3A = arith.constant 7 : i32
    %shift_right_arithmetic3A_146 = vector.broadcast %shift_right_arithmetic3A : i32 to vector<1024x1xi32>
    %shift_right_arithmetic3A_147 = arith.shrsi %sub3A_145, %shift_right_arithmetic3A_146 : vector<1024x1xi32>
    %broadcast_in_dim3A = arith.constant 0 : i32
    %broadcast_in_dim3A_148 = vector.broadcast %broadcast_in_dim3A : i32 to vector<1024x128xi32>
    %add3A_149 = vector.broadcast %shift_right_arithmetic3A_147 : vector<1024x1xi32> to vector<1024x128xi32>
    %add3A_150 = arith.addi %add3A_149, %broadcast_in_dim3A_148 : vector<1024x128xi32>
    %eq3A_151 = arith.constant 0 : i32
    %eq3A_152 = vector.broadcast %eq3A_151 : i32 to vector<1024x128xi32>
    %eq3A_153 = arith.cmpi eq, %add3A_150, %eq3A_152 : vector<1024x128xi32>
    %slice3A_154 = vector.extract_strided_slice %dot_general3A_11 {offsets = [0, 0], sizes = [1024, 128], strides = [1, 1]} : vector<1024x8192xf32> to vector<1024x128xf32>
    %jit3A = arith.constant 0.000000e+00 : f32
    %broadcast_in_dim3A_155 = vector.broadcast %jit3A : f32 to vector<1024x128xf32>
    %select_n3A = arith.select %eq3A_153, %slice3A_154, %broadcast_in_dim3A_155 : vector<1024x128xi1>, vector<1024x128xf32>
    %eq3A_156 = arith.constant 1 : i32
    %eq3A_157 = vector.broadcast %eq3A_156 : i32 to vector<1024x128xi32>
    %eq3A_158 = arith.cmpi eq, %add3A_150, %eq3A_157 : vector<1024x128xi32>
    %slice3A_159 = vector.extract_strided_slice %dot_general3A_11 {offsets = [0, 128], sizes = [1024, 128], strides = [1, 1]} : vector<1024x8192xf32> to vector<1024x128xf32>
    %select_n3A_160 = arith.select %eq3A_158, %slice3A_159, %select_n3A : vector<1024x128xi1>, vector<1024x128xf32>
    %eq3A_161 = arith.constant 2 : i32
    %eq3A_162 = vector.broadcast %eq3A_161 : i32 to vector<1024x128xi32>
    %eq3A_163 = arith.cmpi eq, %add3A_150, %eq3A_162 : vector<1024x128xi32>
    %slice3A_164 = vector.extract_strided_slice %dot_general3A_11 {offsets = [0, 256], sizes = [1024, 128], strides = [1, 1]} : vector<1024x8192xf32> to vector<1024x128xf32>
    %select_n3A_165 = arith.select %eq3A_163, %slice3A_164, %select_n3A_160 : vector<1024x128xi1>, vector<1024x128xf32>
    %eq3A_166 = arith.constant 3 : i32
    %eq3A_167 = vector.broadcast %eq3A_166 : i32 to vector<1024x128xi32>
    %eq3A_168 = arith.cmpi eq, %add3A_150, %eq3A_167 : vector<1024x128xi32>
    %slice3A_169 = vector.extract_strided_slice %dot_general3A_11 {offsets = [0, 384], sizes = [1024, 128], strides = [1, 1]} : vector<1024x8192xf32> to vector<1024x128xf32>
    %select_n3A_170 = arith.select %eq3A_168, %slice3A_169, %select_n3A_165 : vector<1024x128xi1>, vector<1024x128xf32>
    %eq3A_171 = arith.constant 4 : i32
    %eq3A_172 = vector.broadcast %eq3A_171 : i32 to vector<1024x128xi32>
    %eq3A_173 = arith.cmpi eq, %add3A_150, %eq3A_172 : vector<1024x128xi32>
    %slice3A_174 = vector.extract_strided_slice %dot_general3A_11 {offsets = [0, 512], sizes = [1024, 128], strides = [1, 1]} : vector<1024x8192xf32> to vector<1024x128xf32>
    %select_n3A_175 = arith.select %eq3A_173, %slice3A_174, %select_n3A_170 : vector<1024x128xi1>, vector<1024x128xf32>
    %eq3A_176 = arith.constant 5 : i32
    %eq3A_177 = vector.broadcast %eq3A_176 : i32 to vector<1024x128xi32>
    %eq3A_178 = arith.cmpi eq, %add3A_150, %eq3A_177 : vector<1024x128xi32>
    %slice3A_179 = vector.extract_strided_slice %dot_general3A_11 {offsets = [0, 640], sizes = [1024, 128], strides = [1, 1]} : vector<1024x8192xf32> to vector<1024x128xf32>
    %select_n3A_180 = arith.select %eq3A_178, %slice3A_179, %select_n3A_175 : vector<1024x128xi1>, vector<1024x128xf32>
    %eq3A_181 = arith.constant 6 : i32
    %eq3A_182 = vector.broadcast %eq3A_181 : i32 to vector<1024x128xi32>
    %eq3A_183 = arith.cmpi eq, %add3A_150, %eq3A_182 : vector<1024x128xi32>
    %slice3A_184 = vector.extract_strided_slice %dot_general3A_11 {offsets = [0, 768], sizes = [1024, 128], strides = [1, 1]} : vector<1024x8192xf32> to vector<1024x128xf32>
    %select_n3A_185 = arith.select %eq3A_183, %slice3A_184, %select_n3A_180 : vector<1024x128xi1>, vector<1024x128xf32>
    %eq3A_186 = arith.constant 7 : i32
    %eq3A_187 = vector.broadcast %eq3A_186 : i32 to vector<1024x128xi32>
    %eq3A_188 = arith.cmpi eq, %add3A_150, %eq3A_187 : vector<1024x128xi32>
    %slice3A_189 = vector.extract_strided_slice %dot_general3A_11 {offsets = [0, 896], sizes = [1024, 128], strides = [1, 1]} : vector<1024x8192xf32> to vector<1024x128xf32>
    %select_n3A_190 = arith.select %eq3A_188, %slice3A_189, %select_n3A_185 : vector<1024x128xi1>, vector<1024x128xf32>
    %eq3A_191 = arith.constant 8 : i32
    %eq3A_192 = vector.broadcast %eq3A_191 : i32 to vector<1024x128xi32>
    %eq3A_193 = arith.cmpi eq, %add3A_150, %eq3A_192 : vector<1024x128xi32>
    %slice3A_194 = vector.extract_strided_slice %dot_general3A_11 {offsets = [0, 1024], sizes = [1024, 128], strides = [1, 1]} : vector<1024x8192xf32> to vector<1024x128xf32>
    %select_n3A_195 = arith.select %eq3A_193, %slice3A_194, %select_n3A_190 : vector<1024x128xi1>, vector<1024x128xf32>
    %eq3A_196 = arith.constant 9 : i32
    %eq3A_197 = vector.broadcast %eq3A_196 : i32 to vector<1024x128xi32>
    %eq3A_198 = arith.cmpi eq, %add3A_150, %eq3A_197 : vector<1024x128xi32>
    %slice3A_199 = vector.extract_strided_slice %dot_general3A_11 {offsets = [0, 1152], sizes = [1024, 128], strides = [1, 1]} : vector<1024x8192xf32> to vector<1024x128xf32>
    %select_n3A_200 = arith.select %eq3A_198, %slice3A_199, %select_n3A_195 : vector<1024x128xi1>, vector<1024x128xf32>
    %eq3A_201 = arith.constant 10 : i32
    %eq3A_202 = vector.broadcast %eq3A_201 : i32 to vector<1024x128xi32>
    %eq3A_203 = arith.cmpi eq, %add3A_150, %eq3A_202 : vector<1024x128xi32>
    %slice3A_204 = vector.extract_strided_slice %dot_general3A_11 {offsets = [0, 1280], sizes = [1024, 128], strides = [1, 1]} : vector<1024x8192xf32> to vector<1024x128xf32>
    %select_n3A_205 = arith.select %eq3A_203, %slice3A_204, %select_n3A_200 : vector<1024x128xi1>, vector<1024x128xf32>
    %eq3A_206 = arith.constant 11 : i32
    %eq3A_207 = vector.broadcast %eq3A_206 : i32 to vector<1024x128xi32>
    %eq3A_208 = arith.cmpi eq, %add3A_150, %eq3A_207 : vector<1024x128xi32>
    %slice3A_209 = vector.extract_strided_slice %dot_general3A_11 {offsets = [0, 1408], sizes = [1024, 128], strides = [1, 1]} : vector<1024x8192xf32> to vector<1024x128xf32>
    %select_n3A_210 = arith.select %eq3A_208, %slice3A_209, %select_n3A_205 : vector<1024x128xi1>, vector<1024x128xf32>
    %eq3A_211 = arith.constant 12 : i32
    %eq3A_212 = vector.broadcast %eq3A_211 : i32 to vector<1024x128xi32>
    %eq3A_213 = arith.cmpi eq, %add3A_150, %eq3A_212 : vector<1024x128xi32>
    %slice3A_214 = vector.extract_strided_slice %dot_general3A_11 {offsets = [0, 1536], sizes = [1024, 128], strides = [1, 1]} : vector<1024x8192xf32> to vector<1024x128xf32>
    %select_n3A_215 = arith.select %eq3A_213, %slice3A_214, %select_n3A_210 : vector<1024x128xi1>, vector<1024x128xf32>
    %eq3A_216 = arith.constant 13 : i32
    %eq3A_217 = vector.broadcast %eq3A_216 : i32 to vector<1024x128xi32>
    %eq3A_218 = arith.cmpi eq, %add3A_150, %eq3A_217 : vector<1024x128xi32>
    %slice3A_219 = vector.extract_strided_slice %dot_general3A_11 {offsets = [0, 1664], sizes = [1024, 128], strides = [1, 1]} : vector<1024x8192xf32> to vector<1024x128xf32>
    %select_n3A_220 = arith.select %eq3A_218, %slice3A_219, %select_n3A_215 : vector<1024x128xi1>, vector<1024x128xf32>
    %eq3A_221 = arith.constant 14 : i32
    %eq3A_222 = vector.broadcast %eq3A_221 : i32 to vector<1024x128xi32>
    %eq3A_223 = arith.cmpi eq, %add3A_150, %eq3A_222 : vector<1024x128xi32>
    %slice3A_224 = vector.extract_strided_slice %dot_general3A_11 {offsets = [0, 1792], sizes = [1024, 128], strides = [1, 1]} : vector<1024x8192xf32> to vector<1024x128xf32>
    %select_n3A_225 = arith.select %eq3A_223, %slice3A_224, %select_n3A_220 : vector<1024x128xi1>, vector<1024x128xf32>
    %eq3A_226 = arith.constant 15 : i32
    %eq3A_227 = vector.broadcast %eq3A_226 : i32 to vector<1024x128xi32>
    %eq3A_228 = arith.cmpi eq, %add3A_150, %eq3A_227 : vector<1024x128xi32>
    %slice3A_229 = vector.extract_strided_slice %dot_general3A_11 {offsets = [0, 1920], sizes = [1024, 128], strides = [1, 1]} : vector<1024x8192xf32> to vector<1024x128xf32>
    %select_n3A_230 = arith.select %eq3A_228, %slice3A_229, %select_n3A_225 : vector<1024x128xi1>, vector<1024x128xf32>
    %eq3A_231 = arith.constant 16 : i32
    %eq3A_232 = vector.broadcast %eq3A_231 : i32 to vector<1024x128xi32>
    %eq3A_233 = arith.cmpi eq, %add3A_150, %eq3A_232 : vector<1024x128xi32>
    %slice3A_234 = vector.extract_strided_slice %dot_general3A_11 {offsets = [0, 2048], sizes = [1024, 128], strides = [1, 1]} : vector<1024x8192xf32> to vector<1024x128xf32>
    %select_n3A_235 = arith.select %eq3A_233, %slice3A_234, %select_n3A_230 : vector<1024x128xi1>, vector<1024x128xf32>
    %eq3A_236 = arith.constant 17 : i32
    %eq3A_237 = vector.broadcast %eq3A_236 : i32 to vector<1024x128xi32>
    %eq3A_238 = arith.cmpi eq, %add3A_150, %eq3A_237 : vector<1024x128xi32>
    %slice3A_239 = vector.extract_strided_slice %dot_general3A_11 {offsets = [0, 2176], sizes = [1024, 128], strides = [1, 1]} : vector<1024x8192xf32> to vector<1024x128xf32>
    %select_n3A_240 = arith.select %eq3A_238, %slice3A_239, %select_n3A_235 : vector<1024x128xi1>, vector<1024x128xf32>
    %eq3A_241 = arith.constant 18 : i32
    %eq3A_242 = vector.broadcast %eq3A_241 : i32 to vector<1024x128xi32>
    %eq3A_243 = arith.cmpi eq, %add3A_150, %eq3A_242 : vector<1024x128xi32>
    %slice3A_244 = vector.extract_strided_slice %dot_general3A_11 {offsets = [0, 2304], sizes = [1024, 128], strides = [1, 1]} : vector<1024x8192xf32> to vector<1024x128xf32>
    %select_n3A_245 = arith.select %eq3A_243, %slice3A_244, %select_n3A_240 : vector<1024x128xi1>, vector<1024x128xf32>
    %eq3A_246 = arith.constant 19 : i32
    %eq3A_247 = vector.broadcast %eq3A_246 : i32 to vector<1024x128xi32>
    %eq3A_248 = arith.cmpi eq, %add3A_150, %eq3A_247 : vector<1024x128xi32>
    %slice3A_249 = vector.extract_strided_slice %dot_general3A_11 {offsets = [0, 2432], sizes = [1024, 128], strides = [1, 1]} : vector<1024x8192xf32> to vector<1024x128xf32>
    %select_n3A_250 = arith.select %eq3A_248, %slice3A_249, %select_n3A_245 : vector<1024x128xi1>, vector<1024x128xf32>
    %eq3A_251 = arith.constant 20 : i32
    %eq3A_252 = vector.broadcast %eq3A_251 : i32 to vector<1024x128xi32>
    %eq3A_253 = arith.cmpi eq, %add3A_150, %eq3A_252 : vector<1024x128xi32>
    %slice3A_254 = vector.extract_strided_slice %dot_general3A_11 {offsets = [0, 2560], sizes = [1024, 128], strides = [1, 1]} : vector<1024x8192xf32> to vector<1024x128xf32>
    %select_n3A_255 = arith.select %eq3A_253, %slice3A_254, %select_n3A_250 : vector<1024x128xi1>, vector<1024x128xf32>
    %eq3A_256 = arith.constant 21 : i32
    %eq3A_257 = vector.broadcast %eq3A_256 : i32 to vector<1024x128xi32>
    %eq3A_258 = arith.cmpi eq, %add3A_150, %eq3A_257 : vector<1024x128xi32>
    %slice3A_259 = vector.extract_strided_slice %dot_general3A_11 {offsets = [0, 2688], sizes = [1024, 128], strides = [1, 1]} : vector<1024x8192xf32> to vector<1024x128xf32>
    %select_n3A_260 = arith.select %eq3A_258, %slice3A_259, %select_n3A_255 : vector<1024x128xi1>, vector<1024x128xf32>
    %eq3A_261 = arith.constant 22 : i32
    %eq3A_262 = vector.broadcast %eq3A_261 : i32 to vector<1024x128xi32>
    %eq3A_263 = arith.cmpi eq, %add3A_150, %eq3A_262 : vector<1024x128xi32>
    %slice3A_264 = vector.extract_strided_slice %dot_general3A_11 {offsets = [0, 2816], sizes = [1024, 128], strides = [1, 1]} : vector<1024x8192xf32> to vector<1024x128xf32>
    %select_n3A_265 = arith.select %eq3A_263, %slice3A_264, %select_n3A_260 : vector<1024x128xi1>, vector<1024x128xf32>
    %eq3A_266 = arith.constant 23 : i32
    %eq3A_267 = vector.broadcast %eq3A_266 : i32 to vector<1024x128xi32>
    %eq3A_268 = arith.cmpi eq, %add3A_150, %eq3A_267 : vector<1024x128xi32>
    %slice3A_269 = vector.extract_strided_slice %dot_general3A_11 {offsets = [0, 2944], sizes = [1024, 128], strides = [1, 1]} : vector<1024x8192xf32> to vector<1024x128xf32>
    %select_n3A_270 = arith.select %eq3A_268, %slice3A_269, %select_n3A_265 : vector<1024x128xi1>, vector<1024x128xf32>
    %eq3A_271 = arith.constant 24 : i32
    %eq3A_272 = vector.broadcast %eq3A_271 : i32 to vector<1024x128xi32>
    %eq3A_273 = arith.cmpi eq, %add3A_150, %eq3A_272 : vector<1024x128xi32>
    %slice3A_274 = vector.extract_strided_slice %dot_general3A_11 {offsets = [0, 3072], sizes = [1024, 128], strides = [1, 1]} : vector<1024x8192xf32> to vector<1024x128xf32>
    %select_n3A_275 = arith.select %eq3A_273, %slice3A_274, %select_n3A_270 : vector<1024x128xi1>, vector<1024x128xf32>
    %eq3A_276 = arith.constant 25 : i32
    %eq3A_277 = vector.broadcast %eq3A_276 : i32 to vector<1024x128xi32>
    %eq3A_278 = arith.cmpi eq, %add3A_150, %eq3A_277 : vector<1024x128xi32>
    %slice3A_279 = vector.extract_strided_slice %dot_general3A_11 {offsets = [0, 3200], sizes = [1024, 128], strides = [1, 1]} : vector<1024x8192xf32> to vector<1024x128xf32>
    %select_n3A_280 = arith.select %eq3A_278, %slice3A_279, %select_n3A_275 : vector<1024x128xi1>, vector<1024x128xf32>
    %eq3A_281 = arith.constant 26 : i32
    %eq3A_282 = vector.broadcast %eq3A_281 : i32 to vector<1024x128xi32>
    %eq3A_283 = arith.cmpi eq, %add3A_150, %eq3A_282 : vector<1024x128xi32>
    %slice3A_284 = vector.extract_strided_slice %dot_general3A_11 {offsets = [0, 3328], sizes = [1024, 128], strides = [1, 1]} : vector<1024x8192xf32> to vector<1024x128xf32>
    %select_n3A_285 = arith.select %eq3A_283, %slice3A_284, %select_n3A_280 : vector<1024x128xi1>, vector<1024x128xf32>
    %eq3A_286 = arith.constant 27 : i32
    %eq3A_287 = vector.broadcast %eq3A_286 : i32 to vector<1024x128xi32>
    %eq3A_288 = arith.cmpi eq, %add3A_150, %eq3A_287 : vector<1024x128xi32>
    %slice3A_289 = vector.extract_strided_slice %dot_general3A_11 {offsets = [0, 3456], sizes = [1024, 128], strides = [1, 1]} : vector<1024x8192xf32> to vector<1024x128xf32>
    %select_n3A_290 = arith.select %eq3A_288, %slice3A_289, %select_n3A_285 : vector<1024x128xi1>, vector<1024x128xf32>
    %eq3A_291 = arith.constant 28 : i32
    %eq3A_292 = vector.broadcast %eq3A_291 : i32 to vector<1024x128xi32>
    %eq3A_293 = arith.cmpi eq, %add3A_150, %eq3A_292 : vector<1024x128xi32>
    %slice3A_294 = vector.extract_strided_slice %dot_general3A_11 {offsets = [0, 3584], sizes = [1024, 128], strides = [1, 1]} : vector<1024x8192xf32> to vector<1024x128xf32>
    %select_n3A_295 = arith.select %eq3A_293, %slice3A_294, %select_n3A_290 : vector<1024x128xi1>, vector<1024x128xf32>
    %eq3A_296 = arith.constant 29 : i32
    %eq3A_297 = vector.broadcast %eq3A_296 : i32 to vector<1024x128xi32>
    %eq3A_298 = arith.cmpi eq, %add3A_150, %eq3A_297 : vector<1024x128xi32>
    %slice3A_299 = vector.extract_strided_slice %dot_general3A_11 {offsets = [0, 3712], sizes = [1024, 128], strides = [1, 1]} : vector<1024x8192xf32> to vector<1024x128xf32>
    %select_n3A_300 = arith.select %eq3A_298, %slice3A_299, %select_n3A_295 : vector<1024x128xi1>, vector<1024x128xf32>
    %eq3A_301 = arith.constant 30 : i32
    %eq3A_302 = vector.broadcast %eq3A_301 : i32 to vector<1024x128xi32>
    %eq3A_303 = arith.cmpi eq, %add3A_150, %eq3A_302 : vector<1024x128xi32>
    %slice3A_304 = vector.extract_strided_slice %dot_general3A_11 {offsets = [0, 3840], sizes = [1024, 128], strides = [1, 1]} : vector<1024x8192xf32> to vector<1024x128xf32>
    %select_n3A_305 = arith.select %eq3A_303, %slice3A_304, %select_n3A_300 : vector<1024x128xi1>, vector<1024x128xf32>
    %eq3A_306 = arith.constant 31 : i32
    %eq3A_307 = vector.broadcast %eq3A_306 : i32 to vector<1024x128xi32>
    %eq3A_308 = arith.cmpi eq, %add3A_150, %eq3A_307 : vector<1024x128xi32>
    %slice3A_309 = vector.extract_strided_slice %dot_general3A_11 {offsets = [0, 3968], sizes = [1024, 128], strides = [1, 1]} : vector<1024x8192xf32> to vector<1024x128xf32>
    %select_n3A_310 = arith.select %eq3A_308, %slice3A_309, %select_n3A_305 : vector<1024x128xi1>, vector<1024x128xf32>
    %eq3A_311 = arith.constant 32 : i32
    %eq3A_312 = vector.broadcast %eq3A_311 : i32 to vector<1024x128xi32>
    %eq3A_313 = arith.cmpi eq, %add3A_150, %eq3A_312 : vector<1024x128xi32>
    %slice3A_314 = vector.extract_strided_slice %dot_general3A_11 {offsets = [0, 4096], sizes = [1024, 128], strides = [1, 1]} : vector<1024x8192xf32> to vector<1024x128xf32>
    %select_n3A_315 = arith.select %eq3A_313, %slice3A_314, %select_n3A_310 : vector<1024x128xi1>, vector<1024x128xf32>
    %eq3A_316 = arith.constant 33 : i32
    %eq3A_317 = vector.broadcast %eq3A_316 : i32 to vector<1024x128xi32>
    %eq3A_318 = arith.cmpi eq, %add3A_150, %eq3A_317 : vector<1024x128xi32>
    %slice3A_319 = vector.extract_strided_slice %dot_general3A_11 {offsets = [0, 4224], sizes = [1024, 128], strides = [1, 1]} : vector<1024x8192xf32> to vector<1024x128xf32>
    %select_n3A_320 = arith.select %eq3A_318, %slice3A_319, %select_n3A_315 : vector<1024x128xi1>, vector<1024x128xf32>
    %eq3A_321 = arith.constant 34 : i32
    %eq3A_322 = vector.broadcast %eq3A_321 : i32 to vector<1024x128xi32>
    %eq3A_323 = arith.cmpi eq, %add3A_150, %eq3A_322 : vector<1024x128xi32>
    %slice3A_324 = vector.extract_strided_slice %dot_general3A_11 {offsets = [0, 4352], sizes = [1024, 128], strides = [1, 1]} : vector<1024x8192xf32> to vector<1024x128xf32>
    %select_n3A_325 = arith.select %eq3A_323, %slice3A_324, %select_n3A_320 : vector<1024x128xi1>, vector<1024x128xf32>
    %eq3A_326 = arith.constant 35 : i32
    %eq3A_327 = vector.broadcast %eq3A_326 : i32 to vector<1024x128xi32>
    %eq3A_328 = arith.cmpi eq, %add3A_150, %eq3A_327 : vector<1024x128xi32>
    %slice3A_329 = vector.extract_strided_slice %dot_general3A_11 {offsets = [0, 4480], sizes = [1024, 128], strides = [1, 1]} : vector<1024x8192xf32> to vector<1024x128xf32>
    %select_n3A_330 = arith.select %eq3A_328, %slice3A_329, %select_n3A_325 : vector<1024x128xi1>, vector<1024x128xf32>
    %eq3A_331 = arith.constant 36 : i32
    %eq3A_332 = vector.broadcast %eq3A_331 : i32 to vector<1024x128xi32>
    %eq3A_333 = arith.cmpi eq, %add3A_150, %eq3A_332 : vector<1024x128xi32>
    %slice3A_334 = vector.extract_strided_slice %dot_general3A_11 {offsets = [0, 4608], sizes = [1024, 128], strides = [1, 1]} : vector<1024x8192xf32> to vector<1024x128xf32>
    %select_n3A_335 = arith.select %eq3A_333, %slice3A_334, %select_n3A_330 : vector<1024x128xi1>, vector<1024x128xf32>
    %eq3A_336 = arith.constant 37 : i32
    %eq3A_337 = vector.broadcast %eq3A_336 : i32 to vector<1024x128xi32>
    %eq3A_338 = arith.cmpi eq, %add3A_150, %eq3A_337 : vector<1024x128xi32>
    %slice3A_339 = vector.extract_strided_slice %dot_general3A_11 {offsets = [0, 4736], sizes = [1024, 128], strides = [1, 1]} : vector<1024x8192xf32> to vector<1024x128xf32>
    %select_n3A_340 = arith.select %eq3A_338, %slice3A_339, %select_n3A_335 : vector<1024x128xi1>, vector<1024x128xf32>
    %eq3A_341 = arith.constant 38 : i32
    %eq3A_342 = vector.broadcast %eq3A_341 : i32 to vector<1024x128xi32>
    %eq3A_343 = arith.cmpi eq, %add3A_150, %eq3A_342 : vector<1024x128xi32>
    %slice3A_344 = vector.extract_strided_slice %dot_general3A_11 {offsets = [0, 4864], sizes = [1024, 128], strides = [1, 1]} : vector<1024x8192xf32> to vector<1024x128xf32>
    %select_n3A_345 = arith.select %eq3A_343, %slice3A_344, %select_n3A_340 : vector<1024x128xi1>, vector<1024x128xf32>
    %eq3A_346 = arith.constant 39 : i32
    %eq3A_347 = vector.broadcast %eq3A_346 : i32 to vector<1024x128xi32>
    %eq3A_348 = arith.cmpi eq, %add3A_150, %eq3A_347 : vector<1024x128xi32>
    %slice3A_349 = vector.extract_strided_slice %dot_general3A_11 {offsets = [0, 4992], sizes = [1024, 128], strides = [1, 1]} : vector<1024x8192xf32> to vector<1024x128xf32>
    %select_n3A_350 = arith.select %eq3A_348, %slice3A_349, %select_n3A_345 : vector<1024x128xi1>, vector<1024x128xf32>
    %eq3A_351 = arith.constant 40 : i32
    %eq3A_352 = vector.broadcast %eq3A_351 : i32 to vector<1024x128xi32>
    %eq3A_353 = arith.cmpi eq, %add3A_150, %eq3A_352 : vector<1024x128xi32>
    %slice3A_354 = vector.extract_strided_slice %dot_general3A_11 {offsets = [0, 5120], sizes = [1024, 128], strides = [1, 1]} : vector<1024x8192xf32> to vector<1024x128xf32>
    %select_n3A_355 = arith.select %eq3A_353, %slice3A_354, %select_n3A_350 : vector<1024x128xi1>, vector<1024x128xf32>
    %eq3A_356 = arith.constant 41 : i32
    %eq3A_357 = vector.broadcast %eq3A_356 : i32 to vector<1024x128xi32>
    %eq3A_358 = arith.cmpi eq, %add3A_150, %eq3A_357 : vector<1024x128xi32>
    %slice3A_359 = vector.extract_strided_slice %dot_general3A_11 {offsets = [0, 5248], sizes = [1024, 128], strides = [1, 1]} : vector<1024x8192xf32> to vector<1024x128xf32>
    %select_n3A_360 = arith.select %eq3A_358, %slice3A_359, %select_n3A_355 : vector<1024x128xi1>, vector<1024x128xf32>
    %eq3A_361 = arith.constant 42 : i32
    %eq3A_362 = vector.broadcast %eq3A_361 : i32 to vector<1024x128xi32>
    %eq3A_363 = arith.cmpi eq, %add3A_150, %eq3A_362 : vector<1024x128xi32>
    %slice3A_364 = vector.extract_strided_slice %dot_general3A_11 {offsets = [0, 5376], sizes = [1024, 128], strides = [1, 1]} : vector<1024x8192xf32> to vector<1024x128xf32>
    %select_n3A_365 = arith.select %eq3A_363, %slice3A_364, %select_n3A_360 : vector<1024x128xi1>, vector<1024x128xf32>
    %eq3A_366 = arith.constant 43 : i32
    %eq3A_367 = vector.broadcast %eq3A_366 : i32 to vector<1024x128xi32>
    %eq3A_368 = arith.cmpi eq, %add3A_150, %eq3A_367 : vector<1024x128xi32>
    %slice3A_369 = vector.extract_strided_slice %dot_general3A_11 {offsets = [0, 5504], sizes = [1024, 128], strides = [1, 1]} : vector<1024x8192xf32> to vector<1024x128xf32>
    %select_n3A_370 = arith.select %eq3A_368, %slice3A_369, %select_n3A_365 : vector<1024x128xi1>, vector<1024x128xf32>
    %eq3A_371 = arith.constant 44 : i32
    %eq3A_372 = vector.broadcast %eq3A_371 : i32 to vector<1024x128xi32>
    %eq3A_373 = arith.cmpi eq, %add3A_150, %eq3A_372 : vector<1024x128xi32>
    %slice3A_374 = vector.extract_strided_slice %dot_general3A_11 {offsets = [0, 5632], sizes = [1024, 128], strides = [1, 1]} : vector<1024x8192xf32> to vector<1024x128xf32>
    %select_n3A_375 = arith.select %eq3A_373, %slice3A_374, %select_n3A_370 : vector<1024x128xi1>, vector<1024x128xf32>
    %eq3A_376 = arith.constant 45 : i32
    %eq3A_377 = vector.broadcast %eq3A_376 : i32 to vector<1024x128xi32>
    %eq3A_378 = arith.cmpi eq, %add3A_150, %eq3A_377 : vector<1024x128xi32>
    %slice3A_379 = vector.extract_strided_slice %dot_general3A_11 {offsets = [0, 5760], sizes = [1024, 128], strides = [1, 1]} : vector<1024x8192xf32> to vector<1024x128xf32>
    %select_n3A_380 = arith.select %eq3A_378, %slice3A_379, %select_n3A_375 : vector<1024x128xi1>, vector<1024x128xf32>
    %eq3A_381 = arith.constant 46 : i32
    %eq3A_382 = vector.broadcast %eq3A_381 : i32 to vector<1024x128xi32>
    %eq3A_383 = arith.cmpi eq, %add3A_150, %eq3A_382 : vector<1024x128xi32>
    %slice3A_384 = vector.extract_strided_slice %dot_general3A_11 {offsets = [0, 5888], sizes = [1024, 128], strides = [1, 1]} : vector<1024x8192xf32> to vector<1024x128xf32>
    %select_n3A_385 = arith.select %eq3A_383, %slice3A_384, %select_n3A_380 : vector<1024x128xi1>, vector<1024x128xf32>
    %eq3A_386 = arith.constant 47 : i32
    %eq3A_387 = vector.broadcast %eq3A_386 : i32 to vector<1024x128xi32>
    %eq3A_388 = arith.cmpi eq, %add3A_150, %eq3A_387 : vector<1024x128xi32>
    %slice3A_389 = vector.extract_strided_slice %dot_general3A_11 {offsets = [0, 6016], sizes = [1024, 128], strides = [1, 1]} : vector<1024x8192xf32> to vector<1024x128xf32>
    %select_n3A_390 = arith.select %eq3A_388, %slice3A_389, %select_n3A_385 : vector<1024x128xi1>, vector<1024x128xf32>
    %eq3A_391 = arith.constant 48 : i32
    %eq3A_392 = vector.broadcast %eq3A_391 : i32 to vector<1024x128xi32>
    %eq3A_393 = arith.cmpi eq, %add3A_150, %eq3A_392 : vector<1024x128xi32>
    %slice3A_394 = vector.extract_strided_slice %dot_general3A_11 {offsets = [0, 6144], sizes = [1024, 128], strides = [1, 1]} : vector<1024x8192xf32> to vector<1024x128xf32>
    %select_n3A_395 = arith.select %eq3A_393, %slice3A_394, %select_n3A_390 : vector<1024x128xi1>, vector<1024x128xf32>
    %eq3A_396 = arith.constant 49 : i32
    %eq3A_397 = vector.broadcast %eq3A_396 : i32 to vector<1024x128xi32>
    %eq3A_398 = arith.cmpi eq, %add3A_150, %eq3A_397 : vector<1024x128xi32>
    %slice3A_399 = vector.extract_strided_slice %dot_general3A_11 {offsets = [0, 6272], sizes = [1024, 128], strides = [1, 1]} : vector<1024x8192xf32> to vector<1024x128xf32>
    %select_n3A_400 = arith.select %eq3A_398, %slice3A_399, %select_n3A_395 : vector<1024x128xi1>, vector<1024x128xf32>
    %eq3A_401 = arith.constant 50 : i32
    %eq3A_402 = vector.broadcast %eq3A_401 : i32 to vector<1024x128xi32>
    %eq3A_403 = arith.cmpi eq, %add3A_150, %eq3A_402 : vector<1024x128xi32>
    %slice3A_404 = vector.extract_strided_slice %dot_general3A_11 {offsets = [0, 6400], sizes = [1024, 128], strides = [1, 1]} : vector<1024x8192xf32> to vector<1024x128xf32>
    %select_n3A_405 = arith.select %eq3A_403, %slice3A_404, %select_n3A_400 : vector<1024x128xi1>, vector<1024x128xf32>
    %eq3A_406 = arith.constant 51 : i32
    %eq3A_407 = vector.broadcast %eq3A_406 : i32 to vector<1024x128xi32>
    %eq3A_408 = arith.cmpi eq, %add3A_150, %eq3A_407 : vector<1024x128xi32>
    %slice3A_409 = vector.extract_strided_slice %dot_general3A_11 {offsets = [0, 6528], sizes = [1024, 128], strides = [1, 1]} : vector<1024x8192xf32> to vector<1024x128xf32>
    %select_n3A_410 = arith.select %eq3A_408, %slice3A_409, %select_n3A_405 : vector<1024x128xi1>, vector<1024x128xf32>
    %eq3A_411 = arith.constant 52 : i32
    %eq3A_412 = vector.broadcast %eq3A_411 : i32 to vector<1024x128xi32>
    %eq3A_413 = arith.cmpi eq, %add3A_150, %eq3A_412 : vector<1024x128xi32>
    %slice3A_414 = vector.extract_strided_slice %dot_general3A_11 {offsets = [0, 6656], sizes = [1024, 128], strides = [1, 1]} : vector<1024x8192xf32> to vector<1024x128xf32>
    %select_n3A_415 = arith.select %eq3A_413, %slice3A_414, %select_n3A_410 : vector<1024x128xi1>, vector<1024x128xf32>
    %eq3A_416 = arith.constant 53 : i32
    %eq3A_417 = vector.broadcast %eq3A_416 : i32 to vector<1024x128xi32>
    %eq3A_418 = arith.cmpi eq, %add3A_150, %eq3A_417 : vector<1024x128xi32>
    %slice3A_419 = vector.extract_strided_slice %dot_general3A_11 {offsets = [0, 6784], sizes = [1024, 128], strides = [1, 1]} : vector<1024x8192xf32> to vector<1024x128xf32>
    %select_n3A_420 = arith.select %eq3A_418, %slice3A_419, %select_n3A_415 : vector<1024x128xi1>, vector<1024x128xf32>
    %eq3A_421 = arith.constant 54 : i32
    %eq3A_422 = vector.broadcast %eq3A_421 : i32 to vector<1024x128xi32>
    %eq3A_423 = arith.cmpi eq, %add3A_150, %eq3A_422 : vector<1024x128xi32>
    %slice3A_424 = vector.extract_strided_slice %dot_general3A_11 {offsets = [0, 6912], sizes = [1024, 128], strides = [1, 1]} : vector<1024x8192xf32> to vector<1024x128xf32>
    %select_n3A_425 = arith.select %eq3A_423, %slice3A_424, %select_n3A_420 : vector<1024x128xi1>, vector<1024x128xf32>
    %eq3A_426 = arith.constant 55 : i32
    %eq3A_427 = vector.broadcast %eq3A_426 : i32 to vector<1024x128xi32>
    %eq3A_428 = arith.cmpi eq, %add3A_150, %eq3A_427 : vector<1024x128xi32>
    %slice3A_429 = vector.extract_strided_slice %dot_general3A_11 {offsets = [0, 7040], sizes = [1024, 128], strides = [1, 1]} : vector<1024x8192xf32> to vector<1024x128xf32>
    %select_n3A_430 = arith.select %eq3A_428, %slice3A_429, %select_n3A_425 : vector<1024x128xi1>, vector<1024x128xf32>
    %eq3A_431 = arith.constant 56 : i32
    %eq3A_432 = vector.broadcast %eq3A_431 : i32 to vector<1024x128xi32>
    %eq3A_433 = arith.cmpi eq, %add3A_150, %eq3A_432 : vector<1024x128xi32>
    %slice3A_434 = vector.extract_strided_slice %dot_general3A_11 {offsets = [0, 7168], sizes = [1024, 128], strides = [1, 1]} : vector<1024x8192xf32> to vector<1024x128xf32>
    %select_n3A_435 = arith.select %eq3A_433, %slice3A_434, %select_n3A_430 : vector<1024x128xi1>, vector<1024x128xf32>
    %eq3A_436 = arith.constant 57 : i32
    %eq3A_437 = vector.broadcast %eq3A_436 : i32 to vector<1024x128xi32>
    %eq3A_438 = arith.cmpi eq, %add3A_150, %eq3A_437 : vector<1024x128xi32>
    %slice3A_439 = vector.extract_strided_slice %dot_general3A_11 {offsets = [0, 7296], sizes = [1024, 128], strides = [1, 1]} : vector<1024x8192xf32> to vector<1024x128xf32>
    %select_n3A_440 = arith.select %eq3A_438, %slice3A_439, %select_n3A_435 : vector<1024x128xi1>, vector<1024x128xf32>
    %eq3A_441 = arith.constant 58 : i32
    %eq3A_442 = vector.broadcast %eq3A_441 : i32 to vector<1024x128xi32>
    %eq3A_443 = arith.cmpi eq, %add3A_150, %eq3A_442 : vector<1024x128xi32>
    %slice3A_444 = vector.extract_strided_slice %dot_general3A_11 {offsets = [0, 7424], sizes = [1024, 128], strides = [1, 1]} : vector<1024x8192xf32> to vector<1024x128xf32>
    %select_n3A_445 = arith.select %eq3A_443, %slice3A_444, %select_n3A_440 : vector<1024x128xi1>, vector<1024x128xf32>
    %eq3A_446 = arith.constant 59 : i32
    %eq3A_447 = vector.broadcast %eq3A_446 : i32 to vector<1024x128xi32>
    %eq3A_448 = arith.cmpi eq, %add3A_150, %eq3A_447 : vector<1024x128xi32>
    %slice3A_449 = vector.extract_strided_slice %dot_general3A_11 {offsets = [0, 7552], sizes = [1024, 128], strides = [1, 1]} : vector<1024x8192xf32> to vector<1024x128xf32>
    %select_n3A_450 = arith.select %eq3A_448, %slice3A_449, %select_n3A_445 : vector<1024x128xi1>, vector<1024x128xf32>
    %eq3A_451 = arith.constant 60 : i32
    %eq3A_452 = vector.broadcast %eq3A_451 : i32 to vector<1024x128xi32>
    %eq3A_453 = arith.cmpi eq, %add3A_150, %eq3A_452 : vector<1024x128xi32>
    %slice3A_454 = vector.extract_strided_slice %dot_general3A_11 {offsets = [0, 7680], sizes = [1024, 128], strides = [1, 1]} : vector<1024x8192xf32> to vector<1024x128xf32>
    %select_n3A_455 = arith.select %eq3A_453, %slice3A_454, %select_n3A_450 : vector<1024x128xi1>, vector<1024x128xf32>
    %eq3A_456 = arith.constant 61 : i32
    %eq3A_457 = vector.broadcast %eq3A_456 : i32 to vector<1024x128xi32>
    %eq3A_458 = arith.cmpi eq, %add3A_150, %eq3A_457 : vector<1024x128xi32>
    %slice3A_459 = vector.extract_strided_slice %dot_general3A_11 {offsets = [0, 7808], sizes = [1024, 128], strides = [1, 1]} : vector<1024x8192xf32> to vector<1024x128xf32>
    %select_n3A_460 = arith.select %eq3A_458, %slice3A_459, %select_n3A_455 : vector<1024x128xi1>, vector<1024x128xf32>
    %eq3A_461 = arith.constant 62 : i32
    %eq3A_462 = vector.broadcast %eq3A_461 : i32 to vector<1024x128xi32>
    %eq3A_463 = arith.cmpi eq, %add3A_150, %eq3A_462 : vector<1024x128xi32>
    %slice3A_464 = vector.extract_strided_slice %dot_general3A_11 {offsets = [0, 7936], sizes = [1024, 128], strides = [1, 1]} : vector<1024x8192xf32> to vector<1024x128xf32>
    %select_n3A_465 = arith.select %eq3A_463, %slice3A_464, %select_n3A_460 : vector<1024x128xi1>, vector<1024x128xf32>
    %eq3A_466 = arith.constant 63 : i32
    %eq3A_467 = vector.broadcast %eq3A_466 : i32 to vector<1024x128xi32>
    %eq3A_468 = arith.cmpi eq, %add3A_150, %eq3A_467 : vector<1024x128xi32>
    %slice3A_469 = vector.extract_strided_slice %dot_general3A_11 {offsets = [0, 8064], sizes = [1024, 128], strides = [1, 1]} : vector<1024x8192xf32> to vector<1024x128xf32>
    %select_n3A_470 = arith.select %eq3A_468, %slice3A_469, %select_n3A_465 : vector<1024x128xi1>, vector<1024x128xf32>
    %eq3A_471 = arith.constant 0 : i32
    %eq3A_472 = arith.cmpi eq, %arg0, %eq3A_471 : i32
    %convert_element_type3A_473 = arith.extui %eq3A_472 : i1 to i32
    %cond3A_474 = arith.constant 0 : i32
    %cond3A_475 = arith.cmpi ne, %convert_element_type3A_473, %cond3A_474 : i32
    scf.if %cond3A_475 {
      %swap3A = arith.constant 0 : index
      %swap3A_480 = arith.constant 0 : index
      %swap3A_481 = vector.load %arg5[%swap3A, %swap3A_480] : memref<1024x128xf32, #tpu.memory_space<vmem>>, vector<1024x128xf32>
      tpu.vector_store %arg5[%swap3A, %swap3A_480], %add3A_138 {strides = array<i32>} : memref<1024x128xf32, #tpu.memory_space<vmem>>, vector<1024x128xf32>,
      %swap3A_482 = arith.constant 0 : index
      %swap3A_483 = arith.constant 0 : index
      %swap3A_484 = vector.load %arg6[%swap3A_482, %swap3A_483] : memref<1024x128xf32, #tpu.memory_space<vmem>>, vector<1024x128xf32>
      tpu.vector_store %arg6[%swap3A_482, %swap3A_483], %select_n3A_470 {strides = array<i32>} : memref<1024x128xf32, #tpu.memory_space<vmem>>, vector<1024x128xf32>,
    } else {
    }
    %gt3A = arith.constant 0 : i32
    %gt3A_476 = arith.cmpi sgt, %arg0, %gt3A : i32
    %convert_element_type3A_477 = arith.extui %gt3A_476 : i1 to i32
    %cond3A_478 = arith.constant 0 : i32
    %cond3A_479 = arith.cmpi ne, %convert_element_type3A_477, %cond3A_478 : i32
    scf.if %cond3A_479 {
      %get3A_480 = arith.constant 0 : index
      %get3A_481 = arith.constant 0 : index
      %get3A_482 = vector.load %arg5[%get3A_480, %get3A_481] : memref<1024x128xf32, #tpu.memory_space<vmem>>, vector<1024x128xf32>
      %add3A_483 = arith.addf %get3A_482, %add3A_138 : vector<1024x128xf32>
      %swap3A = arith.constant 0 : index
      %swap3A_484 = arith.constant 0 : index
      %swap3A_485 = vector.load %arg5[%swap3A, %swap3A_484] : memref<1024x128xf32, #tpu.memory_space<vmem>>, vector<1024x128xf32>
      tpu.vector_store %arg5[%swap3A, %swap3A_484], %add3A_483 {strides = array<i32>} : memref<1024x128xf32, #tpu.memory_space<vmem>>, vector<1024x128xf32>,
      %get3A_486 = arith.constant 0 : index
      %get3A_487 = arith.constant 0 : index
      %get3A_488 = vector.load %arg6[%get3A_486, %get3A_487] : memref<1024x128xf32, #tpu.memory_space<vmem>>, vector<1024x128xf32>
      %add3A_489 = arith.addf %get3A_488, %select_n3A_470 : vector<1024x128xf32>
      %swap3A_490 = arith.constant 0 : index
      %swap3A_491 = arith.constant 0 : index
      %swap3A_492 = vector.load %arg6[%swap3A_490, %swap3A_491] : memref<1024x128xf32, #tpu.memory_space<vmem>>, vector<1024x128xf32>
      tpu.vector_store %arg6[%swap3A_490, %swap3A_491], %add3A_489 {strides = array<i32>} : memref<1024x128xf32, #tpu.memory_space<vmem>>, vector<1024x128xf32>,
    } else {
    }
    return
  }
  func.func @transform_0(%arg0: i32) -> (i32, i32) {
    %c0_i32 = arith.constant 0 : i32
    %c0_i32_0 = arith.constant 0 : i32
    %c0_i32_1 = arith.constant 0 : i32
    return %c0_i32, %c0_i32_0 : i32, i32
  }
  func.func @transform_1(%arg0: i32) -> (i32, i32) {
    %c0_i32 = arith.constant 0 : i32
    %c0_i32_0 = arith.constant 0 : i32
    return %c0_i32, %arg0 : i32, i32
  }
  func.func @transform_2(%arg0: i32) -> (i32, i32) {
    %c0_i32 = arith.constant 0 : i32
    %c0_i32_0 = arith.constant 0 : i32
    %c0_i32_1 = arith.constant 0 : i32
    return %c0_i32, %c0_i32_0 : i32, i32
  }
  func.func @transform_3(%arg0: i32) -> (i32, i32) {
    %c0_i32 = arith.constant 0 : i32
    %c0_i32_0 = arith.constant 0 : i32
    %c0_i32_1 = arith.constant 0 : i32
    return %c0_i32, %c0_i32_0 : i32, i32
  }
  func.func @transform_4(%arg0: i32) -> (i32, i32) {
    %c0_i32 = arith.constant 0 : i32
    %c0_i32_0 = arith.constant 0 : i32
    %c0_i32_1 = arith.constant 0 : i32
    return %c0_i32, %c0_i32_0 : i32, i32
  }
  func.func @transform_5(%arg0: i32) -> (i32, i32) {
    %c0_i32 = arith.constant 0 : i32
    %c0_i32_0 = arith.constant 0 : i32
    %c0_i32_1 = arith.constant 0 : i32
    return %c0_i32, %c0_i32_0 : i32, i32
  }
}

module attributes {stable_mosaic.version = 14 : i64} {
  func.func @_tc_finish_body(%arg0: i32, %arg1: memref<1024x32xf32, #tpu.memory_space<vmem>>, %arg2: memref<32x2048xf32, #tpu.memory_space<vmem>>, %arg3: memref<1024x128xi32, #tpu.memory_space<vmem>>, %arg4: memref<1024x1xi32, #tpu.memory_space<vmem>>, %arg5: memref<1024x128xf32, #tpu.memory_space<vmem>>, %arg6: memref<1024x128xf32, #tpu.memory_space<vmem>>, %arg7: memref<1x1xf32, #tpu.memory_space<vmem>>) attributes {dimension_semantics = [#tpu.dimension_semantics<arbitrary>], iteration_bounds = array<i64: 1>, scalar_prefetch = 0 : i64, scratch_operands = 0 : i64, tpu.core_type = #tpu.core_type<tc>, window_params = [{pipeline_mode = #tpu.pipeline_mode<synchronous>, transform_indices = @transform_0, window_bounds = array<i64: 1024, 32>}, {transform_indices = @transform_1, window_bounds = array<i64: 32, 2048>}, {pipeline_mode = #tpu.pipeline_mode<synchronous>, transform_indices = @transform_2, window_bounds = array<i64: 1024, 128>}, {pipeline_mode = #tpu.pipeline_mode<synchronous>, transform_indices = @transform_3, window_bounds = array<i64: 1024, 1>}, {pipeline_mode = #tpu.pipeline_mode<synchronous>, transform_indices = @transform_4, window_bounds = array<i64: 1024, 128>}, {pipeline_mode = #tpu.pipeline_mode<synchronous>, transform_indices = @transform_5, window_bounds = array<i64: 1024, 128>}, {pipeline_mode = #tpu.pipeline_mode<synchronous>, transform_indices = @transform_6, window_bounds = array<i64: 1, 1>}]} {
    %get3A = arith.constant 0 : index
    %get3A_0 = arith.constant 0 : index
    %get3A_1 = vector.load %arg3[%get3A, %get3A_0] : memref<1024x128xi32, #tpu.memory_space<vmem>>, vector<1024x128xi32>
    %get3A_2 = arith.constant 0 : index
    %get3A_3 = arith.constant 0 : index
    %get3A_4 = vector.load %arg4[%get3A_2, %get3A_3] : memref<1024x1xi32, #tpu.memory_space<vmem>>, vector<1024x1xi32>
    %and3A = arith.constant 127 : i32
    %and3A_5 = vector.broadcast %and3A : i32 to vector<1024x1xi32>
    %and3A_6 = arith.andi %get3A_4, %and3A_5 : vector<1024x1xi32>
    %iota3A = tpu.iota {dimensions = array<i32: 1>} : vector<1024x128xi32>
    %eq3A = vector.broadcast %and3A_6 : vector<1024x1xi32> to vector<1024x128xi32>
    %eq3A_7 = arith.cmpi eq, %iota3A, %eq3A : vector<1024x128xi32>
    %jit3A = arith.constant 0 : i32
    %broadcast_in_dim3A = vector.broadcast %jit3A : i32 to vector<1024x128xi32>
    %select_n3A = arith.select %eq3A_7, %get3A_1, %broadcast_in_dim3A : vector<1024x128xi1>, vector<1024x128xi32>
    %reduce_sum3A = arith.constant dense<0> : vector<1024xi32>
    %reduce_sum3A_8 = vector.multi_reduction <add>, %select_n3A, %reduce_sum3A [1] : vector<1024x128xi32> to vector<1024xi32>
    %broadcast_in_dim3A_9 = vector.shape_cast %reduce_sum3A_8 : vector<1024xi32> to vector<1024x1xi32>
    %get3A_10 = arith.constant 0 : index
    %get3A_11 = arith.constant 0 : index
    %get3A_12 = vector.load %arg1[%get3A_10, %get3A_11] : memref<1024x32xf32, #tpu.memory_space<vmem>>, vector<1024x32xf32>
    %mul3A = arith.constant 2.000000e+01 : f32
    %mul3A_13 = vector.broadcast %mul3A : f32 to vector<1024x32xf32>
    %mul3A_14 = arith.mulf %get3A_12, %mul3A_13 : vector<1024x32xf32>
    %convert_element_type3A = arith.truncf %mul3A_14 : vector<1024x32xf32> to vector<1024x32xbf16>
    %get3A_15 = arith.constant 0 : index
    %get3A_16 = arith.constant 0 : index
    %get3A_17 = vector.load %arg2[%get3A_15, %get3A_16] : memref<32x2048xf32, #tpu.memory_space<vmem>>, vector<32x2048xf32>
    %convert_element_type3A_18 = arith.truncf %get3A_17 : vector<32x2048xf32> to vector<32x2048xbf16>
    %dot_general3A = arith.constant dense<0.000000e+00> : vector<1024x2048xf32>
    %dot_general3A_19 = tpu.matmul %convert_element_type3A, %convert_element_type3A_18, %dot_general3A {dimension_numbers = #tpu.dot_dimension_numbers<[1], [0], [0], [1], [0, 0, 1, 1], [], []>, transpose_lhs_hint = false} : vector<1024x32xbf16>, vector<32x2048xbf16>, vector<1024x2048xf32> -> vector<1024x2048xf32>
    %iota3A_20 = tpu.iota {dimensions = array<i32: 1>} : vector<1024x2048xi32>
    %add3A = arith.constant 98304 : i32
    %add3A_21 = vector.broadcast %add3A : i32 to vector<1024x2048xi32>
    %add3A_22 = arith.addi %add3A_21, %iota3A_20 : vector<1024x2048xi32>
    %lt3A = arith.constant 100000 : i32
    %lt3A_23 = vector.broadcast %lt3A : i32 to vector<1024x2048xi32>
    %lt3A_24 = arith.cmpi slt, %add3A_22, %lt3A_23 : vector<1024x2048xi32>
    %sub3A = arith.constant 2.000000e+01 : f32
    %sub3A_25 = vector.broadcast %sub3A : f32 to vector<1024x2048xf32>
    %sub3A_26 = arith.subf %dot_general3A_19, %sub3A_25 : vector<1024x2048xf32>
    %exp3A = math.exp %sub3A_26 : vector<1024x2048xf32>
    %jit3A_27 = arith.constant 0.000000e+00 : f32
    %broadcast_in_dim3A_28 = vector.broadcast %jit3A_27 : f32 to vector<1024x2048xf32>
    %select_n3A_29 = arith.select %lt3A_24, %exp3A, %broadcast_in_dim3A_28 : vector<1024x2048xi1>, vector<1024x2048xf32>
    %get3A_30 = arith.constant 0 : index
    %get3A_31 = arith.constant 0 : index
    %get3A_32 = vector.load %arg5[%get3A_30, %get3A_31] : memref<1024x128xf32, #tpu.memory_space<vmem>>, vector<1024x128xf32>
    %slice3A = vector.extract_strided_slice %select_n3A_29 {offsets = [0, 0], sizes = [1024, 128], strides = [1, 1]} : vector<1024x2048xf32> to vector<1024x128xf32>
    %slice3A_33 = vector.extract_strided_slice %select_n3A_29 {offsets = [0, 128], sizes = [1024, 128], strides = [1, 1]} : vector<1024x2048xf32> to vector<1024x128xf32>
    %add3A_34 = arith.addf %slice3A, %slice3A_33 : vector<1024x128xf32>
    %slice3A_35 = vector.extract_strided_slice %select_n3A_29 {offsets = [0, 256], sizes = [1024, 128], strides = [1, 1]} : vector<1024x2048xf32> to vector<1024x128xf32>
    %add3A_36 = arith.addf %add3A_34, %slice3A_35 : vector<1024x128xf32>
    %slice3A_37 = vector.extract_strided_slice %select_n3A_29 {offsets = [0, 384], sizes = [1024, 128], strides = [1, 1]} : vector<1024x2048xf32> to vector<1024x128xf32>
    %add3A_38 = arith.addf %add3A_36, %slice3A_37 : vector<1024x128xf32>
    %slice3A_39 = vector.extract_strided_slice %select_n3A_29 {offsets = [0, 512], sizes = [1024, 128], strides = [1, 1]} : vector<1024x2048xf32> to vector<1024x128xf32>
    %add3A_40 = arith.addf %add3A_38, %slice3A_39 : vector<1024x128xf32>
    %slice3A_41 = vector.extract_strided_slice %select_n3A_29 {offsets = [0, 640], sizes = [1024, 128], strides = [1, 1]} : vector<1024x2048xf32> to vector<1024x128xf32>
    %add3A_42 = arith.addf %add3A_40, %slice3A_41 : vector<1024x128xf32>
    %slice3A_43 = vector.extract_strided_slice %select_n3A_29 {offsets = [0, 768], sizes = [1024, 128], strides = [1, 1]} : vector<1024x2048xf32> to vector<1024x128xf32>
    %add3A_44 = arith.addf %add3A_42, %slice3A_43 : vector<1024x128xf32>
    %slice3A_45 = vector.extract_strided_slice %select_n3A_29 {offsets = [0, 896], sizes = [1024, 128], strides = [1, 1]} : vector<1024x2048xf32> to vector<1024x128xf32>
    %add3A_46 = arith.addf %add3A_44, %slice3A_45 : vector<1024x128xf32>
    %slice3A_47 = vector.extract_strided_slice %select_n3A_29 {offsets = [0, 1024], sizes = [1024, 128], strides = [1, 1]} : vector<1024x2048xf32> to vector<1024x128xf32>
    %add3A_48 = arith.addf %add3A_46, %slice3A_47 : vector<1024x128xf32>
    %slice3A_49 = vector.extract_strided_slice %select_n3A_29 {offsets = [0, 1152], sizes = [1024, 128], strides = [1, 1]} : vector<1024x2048xf32> to vector<1024x128xf32>
    %add3A_50 = arith.addf %add3A_48, %slice3A_49 : vector<1024x128xf32>
    %slice3A_51 = vector.extract_strided_slice %select_n3A_29 {offsets = [0, 1280], sizes = [1024, 128], strides = [1, 1]} : vector<1024x2048xf32> to vector<1024x128xf32>
    %add3A_52 = arith.addf %add3A_50, %slice3A_51 : vector<1024x128xf32>
    %slice3A_53 = vector.extract_strided_slice %select_n3A_29 {offsets = [0, 1408], sizes = [1024, 128], strides = [1, 1]} : vector<1024x2048xf32> to vector<1024x128xf32>
    %add3A_54 = arith.addf %add3A_52, %slice3A_53 : vector<1024x128xf32>
    %slice3A_55 = vector.extract_strided_slice %select_n3A_29 {offsets = [0, 1536], sizes = [1024, 128], strides = [1, 1]} : vector<1024x2048xf32> to vector<1024x128xf32>
    %add3A_56 = arith.addf %add3A_54, %slice3A_55 : vector<1024x128xf32>
    %slice3A_57 = vector.extract_strided_slice %select_n3A_29 {offsets = [0, 1664], sizes = [1024, 128], strides = [1, 1]} : vector<1024x2048xf32> to vector<1024x128xf32>
    %add3A_58 = arith.addf %add3A_56, %slice3A_57 : vector<1024x128xf32>
    %slice3A_59 = vector.extract_strided_slice %select_n3A_29 {offsets = [0, 1792], sizes = [1024, 128], strides = [1, 1]} : vector<1024x2048xf32> to vector<1024x128xf32>
    %add3A_60 = arith.addf %add3A_58, %slice3A_59 : vector<1024x128xf32>
    %slice3A_61 = vector.extract_strided_slice %select_n3A_29 {offsets = [0, 1920], sizes = [1024, 128], strides = [1, 1]} : vector<1024x2048xf32> to vector<1024x128xf32>
    %add3A_62 = arith.addf %add3A_60, %slice3A_61 : vector<1024x128xf32>
    %add3A_63 = arith.addf %get3A_32, %add3A_62 : vector<1024x128xf32>
    %reduce_sum3A_64 = arith.constant dense<0.000000e+00> : vector<1024xf32>
    %reduce_sum3A_65 = vector.multi_reduction <add>, %add3A_63, %reduce_sum3A_64 [1] : vector<1024x128xf32> to vector<1024xf32>
    %broadcast_in_dim3A_66 = vector.shape_cast %reduce_sum3A_65 : vector<1024xf32> to vector<1024x1xf32>
    %log3A = math.log %broadcast_in_dim3A_66 : vector<1024x1xf32>
    %add3A_67 = arith.constant 2.000000e+01 : f32
    %add3A_68 = vector.broadcast %add3A_67 : f32 to vector<1024x1xf32>
    %add3A_69 = arith.addf %log3A, %add3A_68 : vector<1024x1xf32>
    %get3A_70 = arith.constant 0 : index
    %get3A_71 = arith.constant 0 : index
    %get3A_72 = vector.load %arg6[%get3A_70, %get3A_71] : memref<1024x128xf32, #tpu.memory_space<vmem>>, vector<1024x128xf32>
    %sub3A_73 = arith.constant 98304 : i32
    %sub3A_74 = vector.broadcast %sub3A_73 : i32 to vector<1024x1xi32>
    %sub3A_75 = arith.subi %broadcast_in_dim3A_9, %sub3A_74 : vector<1024x1xi32>
    %shift_right_arithmetic3A = arith.constant 7 : i32
    %shift_right_arithmetic3A_76 = vector.broadcast %shift_right_arithmetic3A : i32 to vector<1024x1xi32>
    %shift_right_arithmetic3A_77 = arith.shrsi %sub3A_75, %shift_right_arithmetic3A_76 : vector<1024x1xi32>
    %broadcast_in_dim3A_78 = arith.constant 0 : i32
    %broadcast_in_dim3A_79 = vector.broadcast %broadcast_in_dim3A_78 : i32 to vector<1024x128xi32>
    %add3A_80 = vector.broadcast %shift_right_arithmetic3A_77 : vector<1024x1xi32> to vector<1024x128xi32>
    %add3A_81 = arith.addi %add3A_80, %broadcast_in_dim3A_79 : vector<1024x128xi32>
    %eq3A_82 = arith.constant 0 : i32
    %eq3A_83 = vector.broadcast %eq3A_82 : i32 to vector<1024x128xi32>
    %eq3A_84 = arith.cmpi eq, %add3A_81, %eq3A_83 : vector<1024x128xi32>
    %slice3A_85 = vector.extract_strided_slice %dot_general3A_19 {offsets = [0, 0], sizes = [1024, 128], strides = [1, 1]} : vector<1024x2048xf32> to vector<1024x128xf32>
    %jit3A_86 = arith.constant 0.000000e+00 : f32
    %broadcast_in_dim3A_87 = vector.broadcast %jit3A_86 : f32 to vector<1024x128xf32>
    %select_n3A_88 = arith.select %eq3A_84, %slice3A_85, %broadcast_in_dim3A_87 : vector<1024x128xi1>, vector<1024x128xf32>
    %eq3A_89 = arith.constant 1 : i32
    %eq3A_90 = vector.broadcast %eq3A_89 : i32 to vector<1024x128xi32>
    %eq3A_91 = arith.cmpi eq, %add3A_81, %eq3A_90 : vector<1024x128xi32>
    %slice3A_92 = vector.extract_strided_slice %dot_general3A_19 {offsets = [0, 128], sizes = [1024, 128], strides = [1, 1]} : vector<1024x2048xf32> to vector<1024x128xf32>
    %select_n3A_93 = arith.select %eq3A_91, %slice3A_92, %select_n3A_88 : vector<1024x128xi1>, vector<1024x128xf32>
    %eq3A_94 = arith.constant 2 : i32
    %eq3A_95 = vector.broadcast %eq3A_94 : i32 to vector<1024x128xi32>
    %eq3A_96 = arith.cmpi eq, %add3A_81, %eq3A_95 : vector<1024x128xi32>
    %slice3A_97 = vector.extract_strided_slice %dot_general3A_19 {offsets = [0, 256], sizes = [1024, 128], strides = [1, 1]} : vector<1024x2048xf32> to vector<1024x128xf32>
    %select_n3A_98 = arith.select %eq3A_96, %slice3A_97, %select_n3A_93 : vector<1024x128xi1>, vector<1024x128xf32>
    %eq3A_99 = arith.constant 3 : i32
    %eq3A_100 = vector.broadcast %eq3A_99 : i32 to vector<1024x128xi32>
    %eq3A_101 = arith.cmpi eq, %add3A_81, %eq3A_100 : vector<1024x128xi32>
    %slice3A_102 = vector.extract_strided_slice %dot_general3A_19 {offsets = [0, 384], sizes = [1024, 128], strides = [1, 1]} : vector<1024x2048xf32> to vector<1024x128xf32>
    %select_n3A_103 = arith.select %eq3A_101, %slice3A_102, %select_n3A_98 : vector<1024x128xi1>, vector<1024x128xf32>
    %eq3A_104 = arith.constant 4 : i32
    %eq3A_105 = vector.broadcast %eq3A_104 : i32 to vector<1024x128xi32>
    %eq3A_106 = arith.cmpi eq, %add3A_81, %eq3A_105 : vector<1024x128xi32>
    %slice3A_107 = vector.extract_strided_slice %dot_general3A_19 {offsets = [0, 512], sizes = [1024, 128], strides = [1, 1]} : vector<1024x2048xf32> to vector<1024x128xf32>
    %select_n3A_108 = arith.select %eq3A_106, %slice3A_107, %select_n3A_103 : vector<1024x128xi1>, vector<1024x128xf32>
    %eq3A_109 = arith.constant 5 : i32
    %eq3A_110 = vector.broadcast %eq3A_109 : i32 to vector<1024x128xi32>
    %eq3A_111 = arith.cmpi eq, %add3A_81, %eq3A_110 : vector<1024x128xi32>
    %slice3A_112 = vector.extract_strided_slice %dot_general3A_19 {offsets = [0, 640], sizes = [1024, 128], strides = [1, 1]} : vector<1024x2048xf32> to vector<1024x128xf32>
    %select_n3A_113 = arith.select %eq3A_111, %slice3A_112, %select_n3A_108 : vector<1024x128xi1>, vector<1024x128xf32>
    %eq3A_114 = arith.constant 6 : i32
    %eq3A_115 = vector.broadcast %eq3A_114 : i32 to vector<1024x128xi32>
    %eq3A_116 = arith.cmpi eq, %add3A_81, %eq3A_115 : vector<1024x128xi32>
    %slice3A_117 = vector.extract_strided_slice %dot_general3A_19 {offsets = [0, 768], sizes = [1024, 128], strides = [1, 1]} : vector<1024x2048xf32> to vector<1024x128xf32>
    %select_n3A_118 = arith.select %eq3A_116, %slice3A_117, %select_n3A_113 : vector<1024x128xi1>, vector<1024x128xf32>
    %eq3A_119 = arith.constant 7 : i32
    %eq3A_120 = vector.broadcast %eq3A_119 : i32 to vector<1024x128xi32>
    %eq3A_121 = arith.cmpi eq, %add3A_81, %eq3A_120 : vector<1024x128xi32>
    %slice3A_122 = vector.extract_strided_slice %dot_general3A_19 {offsets = [0, 896], sizes = [1024, 128], strides = [1, 1]} : vector<1024x2048xf32> to vector<1024x128xf32>
    %select_n3A_123 = arith.select %eq3A_121, %slice3A_122, %select_n3A_118 : vector<1024x128xi1>, vector<1024x128xf32>
    %eq3A_124 = arith.constant 8 : i32
    %eq3A_125 = vector.broadcast %eq3A_124 : i32 to vector<1024x128xi32>
    %eq3A_126 = arith.cmpi eq, %add3A_81, %eq3A_125 : vector<1024x128xi32>
    %slice3A_127 = vector.extract_strided_slice %dot_general3A_19 {offsets = [0, 1024], sizes = [1024, 128], strides = [1, 1]} : vector<1024x2048xf32> to vector<1024x128xf32>
    %select_n3A_128 = arith.select %eq3A_126, %slice3A_127, %select_n3A_123 : vector<1024x128xi1>, vector<1024x128xf32>
    %eq3A_129 = arith.constant 9 : i32
    %eq3A_130 = vector.broadcast %eq3A_129 : i32 to vector<1024x128xi32>
    %eq3A_131 = arith.cmpi eq, %add3A_81, %eq3A_130 : vector<1024x128xi32>
    %slice3A_132 = vector.extract_strided_slice %dot_general3A_19 {offsets = [0, 1152], sizes = [1024, 128], strides = [1, 1]} : vector<1024x2048xf32> to vector<1024x128xf32>
    %select_n3A_133 = arith.select %eq3A_131, %slice3A_132, %select_n3A_128 : vector<1024x128xi1>, vector<1024x128xf32>
    %eq3A_134 = arith.constant 10 : i32
    %eq3A_135 = vector.broadcast %eq3A_134 : i32 to vector<1024x128xi32>
    %eq3A_136 = arith.cmpi eq, %add3A_81, %eq3A_135 : vector<1024x128xi32>
    %slice3A_137 = vector.extract_strided_slice %dot_general3A_19 {offsets = [0, 1280], sizes = [1024, 128], strides = [1, 1]} : vector<1024x2048xf32> to vector<1024x128xf32>
    %select_n3A_138 = arith.select %eq3A_136, %slice3A_137, %select_n3A_133 : vector<1024x128xi1>, vector<1024x128xf32>
    %eq3A_139 = arith.constant 11 : i32
    %eq3A_140 = vector.broadcast %eq3A_139 : i32 to vector<1024x128xi32>
    %eq3A_141 = arith.cmpi eq, %add3A_81, %eq3A_140 : vector<1024x128xi32>
    %slice3A_142 = vector.extract_strided_slice %dot_general3A_19 {offsets = [0, 1408], sizes = [1024, 128], strides = [1, 1]} : vector<1024x2048xf32> to vector<1024x128xf32>
    %select_n3A_143 = arith.select %eq3A_141, %slice3A_142, %select_n3A_138 : vector<1024x128xi1>, vector<1024x128xf32>
    %eq3A_144 = arith.constant 12 : i32
    %eq3A_145 = vector.broadcast %eq3A_144 : i32 to vector<1024x128xi32>
    %eq3A_146 = arith.cmpi eq, %add3A_81, %eq3A_145 : vector<1024x128xi32>
    %slice3A_147 = vector.extract_strided_slice %dot_general3A_19 {offsets = [0, 1536], sizes = [1024, 128], strides = [1, 1]} : vector<1024x2048xf32> to vector<1024x128xf32>
    %select_n3A_148 = arith.select %eq3A_146, %slice3A_147, %select_n3A_143 : vector<1024x128xi1>, vector<1024x128xf32>
    %eq3A_149 = arith.constant 13 : i32
    %eq3A_150 = vector.broadcast %eq3A_149 : i32 to vector<1024x128xi32>
    %eq3A_151 = arith.cmpi eq, %add3A_81, %eq3A_150 : vector<1024x128xi32>
    %slice3A_152 = vector.extract_strided_slice %dot_general3A_19 {offsets = [0, 1664], sizes = [1024, 128], strides = [1, 1]} : vector<1024x2048xf32> to vector<1024x128xf32>
    %select_n3A_153 = arith.select %eq3A_151, %slice3A_152, %select_n3A_148 : vector<1024x128xi1>, vector<1024x128xf32>
    %eq3A_154 = arith.constant 14 : i32
    %eq3A_155 = vector.broadcast %eq3A_154 : i32 to vector<1024x128xi32>
    %eq3A_156 = arith.cmpi eq, %add3A_81, %eq3A_155 : vector<1024x128xi32>
    %slice3A_157 = vector.extract_strided_slice %dot_general3A_19 {offsets = [0, 1792], sizes = [1024, 128], strides = [1, 1]} : vector<1024x2048xf32> to vector<1024x128xf32>
    %select_n3A_158 = arith.select %eq3A_156, %slice3A_157, %select_n3A_153 : vector<1024x128xi1>, vector<1024x128xf32>
    %eq3A_159 = arith.constant 15 : i32
    %eq3A_160 = vector.broadcast %eq3A_159 : i32 to vector<1024x128xi32>
    %eq3A_161 = arith.cmpi eq, %add3A_81, %eq3A_160 : vector<1024x128xi32>
    %slice3A_162 = vector.extract_strided_slice %dot_general3A_19 {offsets = [0, 1920], sizes = [1024, 128], strides = [1, 1]} : vector<1024x2048xf32> to vector<1024x128xf32>
    %select_n3A_163 = arith.select %eq3A_161, %slice3A_162, %select_n3A_158 : vector<1024x128xi1>, vector<1024x128xf32>
    %add3A_164 = arith.addf %get3A_72, %select_n3A_163 : vector<1024x128xf32>
    %iota3A_165 = tpu.iota {dimensions = array<i32: 1>} : vector<1024x128xi32>
    %and3A_166 = arith.constant 127 : i32
    %and3A_167 = vector.broadcast %and3A_166 : i32 to vector<1024x1xi32>
    %and3A_168 = arith.andi %broadcast_in_dim3A_9, %and3A_167 : vector<1024x1xi32>
    %eq3A_169 = vector.broadcast %and3A_168 : vector<1024x1xi32> to vector<1024x128xi32>
    %eq3A_170 = arith.cmpi eq, %iota3A_165, %eq3A_169 : vector<1024x128xi32>
    %jit3A_171 = arith.constant 0.000000e+00 : f32
    %broadcast_in_dim3A_172 = vector.broadcast %jit3A_171 : f32 to vector<1024x128xf32>
    %select_n3A_173 = arith.select %eq3A_170, %add3A_164, %broadcast_in_dim3A_172 : vector<1024x128xi1>, vector<1024x128xf32>
    %reduce_sum3A_174 = arith.constant dense<0.000000e+00> : vector<1024xf32>
    %reduce_sum3A_175 = vector.multi_reduction <add>, %select_n3A_173, %reduce_sum3A_174 [1] : vector<1024x128xf32> to vector<1024xf32>
    %broadcast_in_dim3A_176 = vector.shape_cast %reduce_sum3A_175 : vector<1024xf32> to vector<1024x1xf32>
    %sub3A_177 = arith.subf %add3A_69, %broadcast_in_dim3A_176 : vector<1024x1xf32>
    %reduce_sum3A_178 = vector.shape_cast %sub3A_177 : vector<1024x1xf32> to vector<1x1024x1xf32>
    %reduce_sum3A_179 = arith.constant dense<0.000000e+00> : vector<1xf32>
    %reduce_sum3A_180 = vector.multi_reduction <add>, %reduce_sum3A_178, %reduce_sum3A_179 [1, 2] : vector<1x1024x1xf32> to vector<1xf32>
    %reduce_sum3A_181 = vector.shape_cast %reduce_sum3A_180 : vector<1xf32> to vector<1x1x1xf32>
    %reduce_sum3A_182 = vector.extract %reduce_sum3A_181[0, 0, 0] : f32 from vector<1x1x1xf32>
    %div3A = arith.constant 1.024000e+03 : f32
    %div3A_183 = arith.divf %reduce_sum3A_182, %div3A : f32
    %broadcast_in_dim3A_184 = vector.broadcast %div3A_183 : f32 to vector<1x1xf32>
    %swap3A = arith.constant 0 : index
    %swap3A_185 = arith.constant 0 : index
    %swap3A_186 = vector.load %arg7[%swap3A, %swap3A_185] : memref<1x1xf32, #tpu.memory_space<vmem>>, vector<1x1xf32>
    tpu.vector_store %arg7[%swap3A, %swap3A_185], %broadcast_in_dim3A_184 {strides = array<i32>} : memref<1x1xf32, #tpu.memory_space<vmem>>, vector<1x1xf32>,
    return
  }
  func.func @transform_0(%arg0: i32) -> (i32, i32) {
    %c0_i32 = arith.constant 0 : i32
    %c0_i32_0 = arith.constant 0 : i32
    %c0_i32_1 = arith.constant 0 : i32
    return %c0_i32, %c0_i32_0 : i32, i32
  }
  func.func @transform_1(%arg0: i32) -> (i32, i32) {
    %c0_i32 = arith.constant 0 : i32
    %c48_i32 = arith.constant 48 : i32
    %c0_i32_0 = arith.constant 0 : i32
    return %c0_i32, %c48_i32 : i32, i32
  }
  func.func @transform_2(%arg0: i32) -> (i32, i32) {
    %c0_i32 = arith.constant 0 : i32
    %c0_i32_0 = arith.constant 0 : i32
    %c0_i32_1 = arith.constant 0 : i32
    return %c0_i32, %c0_i32_0 : i32, i32
  }
  func.func @transform_3(%arg0: i32) -> (i32, i32) {
    %c0_i32 = arith.constant 0 : i32
    %c0_i32_0 = arith.constant 0 : i32
    %c0_i32_1 = arith.constant 0 : i32
    return %c0_i32, %c0_i32_0 : i32, i32
  }
  func.func @transform_4(%arg0: i32) -> (i32, i32) {
    %c0_i32 = arith.constant 0 : i32
    %c0_i32_0 = arith.constant 0 : i32
    %c0_i32_1 = arith.constant 0 : i32
    return %c0_i32, %c0_i32_0 : i32, i32
  }
  func.func @transform_5(%arg0: i32) -> (i32, i32) {
    %c0_i32 = arith.constant 0 : i32
    %c0_i32_0 = arith.constant 0 : i32
    %c0_i32_1 = arith.constant 0 : i32
    return %c0_i32, %c0_i32_0 : i32, i32
  }
  func.func @transform_6(%arg0: i32) -> (i32, i32) {
    %c0_i32 = arith.constant 0 : i32
    %c0_i32_0 = arith.constant 0 : i32
    %c0_i32_1 = arith.constant 0 : i32
    return %c0_i32, %c0_i32_0 : i32, i32
  }
}

</mosaic_0001>

<sc_bundles>
// kernel: kernel.5.cloned.1.call-start
scs
__scs_entry_jumppad:
0x0: {  	(pc) =	sbr.rel $0x88, $3  }
0x1: {  	(tag) =	ssettag $0x0;
	lr =	simm.s32 $0x1  }
0x2: {  	[smem:$0x3F9D] =	sst lr;
	_ =	strace $0xD0000000  }
0x3: {  	_ = 	snop  }
0x4: {  	_ = 	snop  }
0x5: {  	_ = 	snop  }
0x6: {  	_ = 	snop  }
0x7: {  	_ = 	snop  }
__scs_overlays_trampoline_lowered:
0x8: {  	[smem:$0x3FAC] =	sst s0  }
0x9: {  	[smem:$0x3FAD] =	sst s1  }
0xa: {  	[smem:$0x3FAE] =	sst s2  }
0xb: {  	[smem:$0x3FAF] =	sst s3  }
0xc: {  	[smem:$0x3FB0] =	sst s4  }
0xd: {  	[smem:$0x3FB1] =	sst s5  }
0xe: {  	[smem:$0x3FB2] =	sst s6  }
0xf: {  	[smem:$0x3FB3] =	sst s7  }
0x10: {  	[smem:$0x3FB4] =	sst s8  }
0x11: {  	[smem:$0x3FB5] =	sst s9;
	s0 =	simm.s32 @!p0 $0x0  }
0x12: {  	s1 =	sld [smem:$0x3F9B];
	s0 =	simm.s32 @p0 $0x1  }
0x13: {  	[smem:$0x3FB6] =	sst s0;
	s0 =	simm.s32 @!p1 $0x0  }
0x14: {  	s2 =	sld [smem:$0x3F9A];
	s0 =	simm.s32 @p1 $0x1  }
0x15: {  	[smem:$0x3FB7] =	sst s0;
	s0 =	simm.s32 @!p2 $0x0  }
0x16: {  	s3 =	sld [smem:$0x3FDB];
	s0 =	simm.s32 @p2 $0x1  }
0x17: {  	s4 =	simm.s32 $0x1BF5;
	[smem:$0x3FB9] =	sst s0  }
0x18: {  	s0 =	sld [smem:$0x3F9C];
	_ =	swait.ge [sflag:s4], $0x0  }
0x19: {  	s7 =	sld [smem:$0x3F9D]  }
0x1a: {  	s8 =	sadd.s32 $0xFFFFE003, lr  }
0x1b: {  	s9 =	sadd.s32 $0xFFFFFEF7, lr;
	s5 =	simm.s32 $0xFFFFFFFF;
	p2 =	slt.u32 s8, $0xFFFFF086  }
0x1c: {  	p1 =	slt.u32 s9, $0xF7A;
	s5 =	simm.s32 @!p2 $0x0  }
0x1d: {  	s5 =	simm.s32 @p1 $0x1;
	p0 =	seq.s32 s7, s2  }
0x1e: {  	s7 =	smul.u32 @!p0 $0xF7A, s2;
	p2 =	seq.s32 @!p0 s5, $0x0  }
0x1f: {  	s9 =	smul.u32 $0xF7A, s1;
	s8 =	simm.s32 @!p0 $0x1BF5;
	p2 =	por !p2, p0  }
0x20: {  	[sflag:s8] =	ssyncset.s32 @!p0 $0xFFFFF086;
	s6 =	sadd.s32 @!p0 s3, s7;
	s7 =	simm.s32 @!p0 $0x108  }
0x21: {  	s3 =	sadd.s32 s3, s9;
	s6 =	sadd.s32 @!p0 $0x88, s6;
	s7 =	simm.s32 @p2 $0x1082  }
0x22: {  	[simem:s7], [sflag:s8] =	dma.local @!p0 [hbm:s6], $0xF7A  }
0x23: {  	s9 =	sor.u32 $0xD0000000, s2;
	s6 =	simm.s32 $0x108;
	_ =	swait.ge @!p0 [sflag:s8], $0x0  }
0x24: {  	s3 =	sadd.s32 $0x88, s3;
	s6 =	simm.s32 @!p1 $0x1082;
	[sflag:s4] =	ssyncset.s32 $0xFFFFF086  }
0x25: {  	[simem:s6], [sflag:s4] =	dma.local [hbm:s3], $0xF7A  }
0x26: {  	[smem:$0x3F9D] =	sst s1;
	(tag) =	ssettag s2;
	_ =	strace s9  }
0x27: {  	s1 =	sld [smem:$0x3FAD]  }
0x28: {  	s2 =	sld [smem:$0x3FAE]  }
0x29: {  	s4 =	sld [smem:$0x3FB0]  }
0x2a: {  	p0 =	seq.s32 s5, $0x0;
	s5 =	sld [smem:$0x3FB1]  }
0x2b: {  	s6 =	sld [smem:$0x3FB2]  }
0x2c: {  	s7 =	sld [smem:$0x3FB3]  }
0x2d: {  	s3 =	simm.s32 $0x108;
	s8 =	sld [smem:$0x3FB4]  }
0x2e: {  	s3 =	simm.s32 @!p0 $0x1082;
	s9 =	sld [smem:$0x3FB5]  }
0x2f: {  	lr =	sadd.s32 s0, s3;
	s0 =	sld [smem:$0x3FAC]  }
0x30: {  	s3 =	sld [smem:$0x3FAF]  }
0x31: {  	[smem:$0x3FB8] =	sst s10  }
0x32: {  	s10 =	sld [smem:$0x3FB6];
	_ =	sdelay $0x3  }
0x33: {  	p0 =	seq.s32 s10, $0x1;
	s10 =	sld [smem:$0x3FB8];
	_ =	sdelay $0x3  }
0x34: {  	[smem:$0x3FB8] =	sst s10  }
0x35: {  	s10 =	sld [smem:$0x3FB7];
	_ =	sdelay $0x3  }
0x36: {  	p1 =	seq.s32 s10, $0x1;
	s10 =	sld [smem:$0x3FB8];
	_ =	sdelay $0x3  }
0x37: {  	[smem:$0x3FB8] =	sst s10  }
0x38: {  	s10 =	sld [smem:$0x3FB9]  }
0x39: {  	_ = 	snop;
	(pc) =	sbr.ind lr, $3  }
0x3a: {  	_ = 	snop  }
0x3b: {  	_ = 	snop  }
0x3c: {  	p2 =	seq.s32 s10, $0x1;
	s10 =	sld [smem:$0x3FB8]  }
0x3d: {  	_ =	shalt  }
0x3e: {  	_ =	shalt  }
0x3f: {  	_ =	shalt  }
0x40: {  	_ =	shalt  }
0x41: {  	_ =	shalt  }
0x42: {  	_ =	shalt  }
0x43: {  	_ =	shalt  }
0x44: {  	_ =	shalt  }
0x45: {  	_ =	shalt  }
0x46: {  	_ =	shalt  }
0x47: {  	_ =	shalt  }
0x48: {  	_ =	shalt  }
0x49: {  	_ =	shalt  }
0x4a: {  	_ =	shalt  }
0x4b: {  	_ =	shalt  }
0x4c: {  	_ =	shalt  }
0x4d: {  	_ =	shalt  }
0x4e: {  	_ =	shalt  }
0x4f: {  	_ =	shalt  }
0x50: {  	_ =	shalt  }
0x51: {  	_ =	shalt  }
0x52: {  	_ =	shalt  }
0x53: {  	_ =	shalt  }
0x54: {  	_ =	shalt  }
0x55: {  	_ =	shalt  }
0x56: {  	_ =	shalt  }
0x57: {  	_ =	shalt  }
0x58: {  	_ =	shalt  }
0x59: {  	_ =	shalt  }
0x5a: {  	_ =	shalt  }
0x5b: {  	_ =	shalt  }
0x5c: {  	_ =	shalt  }
0x5d: {  	_ =	shalt  }
0x5e: {  	_ =	shalt  }
0x5f: {  	_ =	shalt  }
0x60: {  	_ =	shalt  }
0x61: {  	_ =	shalt  }
0x62: {  	_ =	shalt  }
0x63: {  	_ =	shalt  }
0x64: {  	_ =	shalt  }
0x65: {  	_ =	shalt  }
0x66: {  	_ =	shalt  }
0x67: {  	_ =	shalt  }
0x68: {  	_ =	shalt  }
0x69: {  	_ =	shalt  }
0x6a: {  	_ =	shalt  }
0x6b: {  	_ =	shalt  }
0x6c: {  	_ =	shalt  }
0x6d: {  	_ =	shalt  }
0x6e: {  	_ =	shalt  }
0x6f: {  	_ =	shalt  }
0x70: {  	_ =	shalt  }
0x71: {  	_ =	shalt  }
0x72: {  	_ =	shalt  }
0x73: {  	_ =	shalt  }
0x74: {  	_ =	shalt  }
0x75: {  	_ =	shalt  }
0x76: {  	_ =	shalt  }
0x77: {  	_ =	shalt  }
0x78: {  	_ =	shalt  }
0x79: {  	_ =	shalt  }
0x7a: {  	_ =	shalt  }
0x7b: {  	_ =	shalt  }
0x7c: {  	_ =	shalt  }
0x7d: {  	_ =	shalt  }
0x7e: {  	_ =	shalt  }
0x7f: {  	_ =	shalt  }
0x80: {  	_ =	shalt  }
0x81: {  	_ =	shalt  }
0x82: {  	_ =	shalt  }
0x83: {  	_ =	shalt  }
0x84: {  	_ =	shalt  }
0x85: {  	_ =	shalt  }
0x86: {  	_ =	shalt  }
0x87: {  	_ =	shalt  }
.Lfunc_end0:
.L_simem_size_0:
called_computation_lowered:
.L_overlay_start_0:
0x88: {  	s2 =	sld [smem:$0x3FD9]  }
0x89: {  	s3 =	sld [smem:$0x3FFE];
	_ =	sdelay $0x1  }
0x8a: {  	s1 =	srdreg.scid  }
0x8b: {  	s0 =	sand.u32 $0x1, s1  }
0x8c: {  	s17 =	sshll.u32 s0, $0xA;
	s2 =	sadd.s32 s3, s2  }
0x8d: {  	s2 =	sadd.s32 s2, s17  }
0x8e: {  	[smem:$0x3FC4] =	sst s2  }
0x8f: {  	_ = 	snop  }
0x90: {  	s2 =	sld [smem:$0x3FC8];
	(tm) =	ssettm $0x1  }
0x91: {  	s18 =	sld [smem:$0x3FFB];
	_ =	sdelay $0x3  }
0x92: {  	_ =	strace s18  }
0x93: {  	s3 =	sld [smem:$0x3FFC];
	_ =	sdelay $0x3  }
0x94: {  	_ =	strace s3  }
0x95: {  	s3 =	sld [smem:$0x3FFD];
	_ =	sdelay $0x3  }
0x96: {  	_ =	strace s3  }
0x97: {  	_ =	strace $0x8FFFFFFF  }
0x98: {  	s19 =	sld [smem:$0x3FDB];
	_ =	sdelay $0x1  }
0x99: {  	s4 =	simm.s32 $_scs_section_size  }
0x9a: {  	s5 =	simm.s32 $_size__tile_overlayer_lowered;
	s6 =	simm.s32 $_tile_overlayer_lowered  }
0x9b: {  	s22 =	simm.s32 $0x1BFF;
	s21 =	sshll.u32 s6, $0x1;
	s3 =	sadd.s32 s4, s19  }
0x9c: {  	s7 =	simm.s32 $0x0;
	s20 =	sshll.u32 s5, $0x1;
	s5 =	sadd.s32 s21, s3  }
0x9d: {  	[timem:s7], [sflag:s22] =	dma.local [hbm:s5], s20  }
0x9e: {  	_ =	swait.ge [sflag:s22], s20  }
0x9f: {  	s4 =	ssub.s32 $0x0, s20;
	[sflag:s22] =	ssyncset.done $0x0  }
0xa0: {  	[sflag:s22] =	ssyncadd.s32 s4;
	_ =	sdelay $0x1  }
0xa1: {  	s23 =	simm.s32 $0x1B8B  }
0xa2: {  	_ =	swait.ge [sflag:s23], $0x1  }
0xa3: {  	[sflag:s23] =	ssyncset.done $0x0  }
0xa4: {  	s25 =	simm.s32 $0x1B8E;
	s24 =	sld [smem:$0x3FFE];
	[sflag:s23] =	ssyncadd.s32 $0xFFFFFFFF  }
0xa5: {  	s26 =	simm.s32 $execute0_lowered;
	[smem:$0x3FD2] =	sst s25  }
0xa6: {  	s5 =	sshll.u32 s26, $0x1;
	_ =	strace $0x80000046;
	[dreg:$0x1] =	wrdreg $0xFFFFFFFF  }
0xa7: {  	s28 =	simm.s32 $_size_execute0_lowered;
	s3 =	sadd.s32 s3, s5;
	[dreg:$0x0] =	wrdreg $0x0  }
0xa8: {  	s5 =	sshll.u32 s28, $0x1;
	[dreg:$0x2] =	wrdreg s3  }
0xa9: {  	[dreg:$0x3] =	wrdreg s5  }
0xaa: {  	[dreg:$0x4] =	wrdreg $0xC0  }
0xab: {  	_ =	task [dreg:s7], $0x5FFFF  }
0xac: {  	[dreg:$0x1] =	wrdreg $0xFFFFFFFF  }
0xad: {  	[dreg:$0x0] =	wrdreg $0x60  }
0xae: {  	[dreg:$0x2] =	wrdreg s2  }
0xaf: {  	[dreg:$0x3] =	wrdreg s24  }
0xb0: {  	[dreg:$0x4] =	wrdreg $0x9  }
0xb1: {  	_ =	task.clear_ibuf [dreg:s7], $0x5FFFF;
	_ =	strace $0x90000046  }
0xb2: {  	s29 =	simm.s32 $0x9;
	_ =	strace $0x80000048  }
0xb3: {  	_ =	swait.ge [sflag:s29], $0x1  }
0xb4: {  	[sflag:s29] =	ssyncadd.s32 $0xFFFFFFFF  }
0xb5: {  	_ =	strace $0x90000048  }
0xb6: {  	_ =	sfence  }
0xb7: {  	s30 =	sld [smem:$0x0];
	_ =	sdelay $0x2  }
0xb8: {  	s31 =	sshll.u32 s1, $0xD;
	s1 =	sshrl.u32 s1, $0x2  }
0xb9: {  	s3 =	sand.u32 $0x4000, s31;
	s1 =	sadd.s32 s1, s30  }
0xba: {  	s0 =	sor.u32 s3, s0;
	s1 =	sshll.u32 s1, $0x11  }
0xbb: {  	s0 =	sor.u32 s1, s0  }
0xbc: {  	s0 =	sadd.s32 $0x8F2B, s0  }
0xbd: {  	[sflag:s0] =	ssyncadd.remote.s32 $0x1  }
0xbe: {  	_ =	sfence.sel $0xFFFF  }
0xbf: {  	[dreg:$0x0] =	wrdreg $0xFFFFFFFF;
	(pc) =	sbr.abs _section_cstart, $3  }
0xc0: {  	[dreg:$0x1] =	wrdreg $0xFFFFFFFF  }
0xc1: {  	_ =	task.clear_ibuf [dreg:s7], $0x2FFFF;
	_ =	strace $0x9FFFFFFF  }
0xc2: {  	(tm) =	ssettm $0x7FFFFFFF  }
0xc3: {  	_ =	shalt  }
tec
execute0_lowered:
.L_overlay_start_1:
0x0: {  	(tag) =	ssettag $0x1  }
0x1: {  	s1 =	srdreg.scid  }
0x2: {  	s3 =	rddreg [dreg:$0x0];
	s0 =	stileid.u32;
	s6 =	sand.u32 $0x1, s1  }
0x3: {  	s10 =	rddreg [dreg:$0x1];
	s4 =	sshll.u32 s0, $0x6;
	s5 =	sshll.u32 s6, $0x5  }
0x4: {  	s2 =	simm.s32 $0x0;
	s1 =	rddreg [dreg:$0x2];
	s11 =	sor.u32 s5, s4  }
0x5: {  	[smem:$0x7FF] =	sst s2;
	s4 =	sshrl.u32 s11, $0x3  }
0x6: {  	_ =	strace $0x80000047;
	s4 =	sadd.s32 s3, s4;
	s3 =	simm.s32 $0x2  }
0x7: {  	[tilespmem:s2], [sflag:$0x2] =	stream.linear.gather [hbm4b:s4+s2], $0x20, $0x38;
	[tilespmem:$0x1100] =	vst v63  }
0x8: {  	_ =	swait.ge [sflag:s3], $0x20  }
0x9: {  	[sflag:s3] =	ssyncset.done $0x0  }
0xa: {  	[sflag:s3] =	ssyncadd.s32 $0xFFFFFFE0  }
0xb: {  	v0 =	vld [tilespmem:$0x0]  }
0xc: {  	v1 =	vld [tilespmem:$0x10];
	_ =	sdelay $0x1  }
0xd: {  	s12 =	ssub.s32 $0x2, s6  }
0xe: {  	s7 =	simm.s32 $0x80;
	s13 =	sshrl.u32 s12, $0x1  }
0xf: {  	s8 =	simm.s32 $0x100;
	s11 =	sshll.u32 s11, $0x4;
	s31 =	ssub.s32 s12, s13;
	v0 =	vshrl.u32 v0, $0x7  }
0x10: {  	s5 =	sadd.s32 $0xA00, s10;
	s10 =	sadd.s32 s11, s10;
	s11 =	smax.u32 s31, $0x1;
	v63 =	vshrl.u32 v1, $0x7;
	[tilespmem:$0x80] =	vst v0  }
0x11: {  	s9 =	simm.s32 $0x1;
	s6 =	simm.s32 $0x20;
	p0 =	sne.s32 s11, $0x1;
	[tilespmem:$0x90] =	vst v63  }
0x12: {  	[tilespmem:s8], [sflag:$0x1] =	stream.indirect.gather [hbm4b:s5+s6], $0x80, s7, s6, $0xb8;
	[tilespmem:$0x1100] =	vst v63  }
.Ltmp0:
0x13: {  	_ =	swait.ge [sflag:s9], $0x1000;
	(pc) =	sbr.rel @!p0 .LBB2_2-.Ltmp0, $4  }
0x14: {  	[sflag:s9] =	ssyncset.done $0x0  }
0x15: {  	s10 =	sadd.s32 $0x3C00, s10;
	[sflag:s9] =	ssyncadd.s32 $0xFFFFF000  }
0x16: {  	[hbm4b:s10+s2] =	stream.linear.scatter [tilespmem:s8], [sflag:$0x2], $0x1000, $0x38;
	[tilespmem:$0x1100] =	vst v63  }
0x17: {  	s11 =	sadd.s32 $0xFFFFFFFF, s11;
	_ =	swait.ge [sflag:s3], $0x1000  }
.LBB2_1:
0x18: {  	p0 =	sne.s32 s11, $0x1;
	s11 =	sadd.s32 $0xFFFFFFFF, s11;
	[sflag:s3] =	ssyncset.done $0x0  }
0x19: {  	[sflag:s3] =	ssyncadd.s32 $0xFFFFF000  }
0x1a: {  	[tilespmem:s2], [sflag:$0x2] =	stream.linear.gather [hbm4b:s4+s2], $0x20, $0x38;
	[tilespmem:$0x1100] =	vst v63  }
0x1b: {  	_ =	swait.ge [sflag:s3], $0x20  }
0x1c: {  	[sflag:s3] =	ssyncset.done $0x0  }
0x1d: {  	[sflag:s3] =	ssyncadd.s32 $0xFFFFFFE0  }
0x1e: {  	v0 =	vld [tilespmem:$0x0]  }
0x1f: {  	v1 =	vld [tilespmem:$0x10];
	_ =	sdelay $0x3  }
0x20: {  	v0 =	vshrl.u32 v0, $0x7  }
0x21: {  	[tilespmem:$0x80] =	vst v0;
	v0 =	vshrl.u32 v1, $0x7  }
0x22: {  	[tilespmem:$0x90] =	vst v0  }
0x23: {  	[tilespmem:s8], [sflag:$0x1] =	stream.indirect.gather [hbm4b:s5+s6], $0x80, s7, s6, $0xb8;
	[tilespmem:$0x1100] =	vst v63  }
.Ltmp1:
0x24: {  	_ =	swait.ge [sflag:s9], $0x1000;
	(pc) =	sbr.rel @p0 .LBB2_1-.Ltmp1, $4  }
0x25: {  	[sflag:s9] =	ssyncset.done $0x0  }
0x26: {  	[sflag:s9] =	ssyncadd.s32 $0xFFFFF000  }
0x27: {  	[hbm4b:s10+s2] =	stream.linear.scatter [tilespmem:s8], [sflag:$0x2], $0x1000, $0x38;
	[tilespmem:$0x1100] =	vst v63  }
0x28: {  	_ =	swait.ge [sflag:s3], $0x1000  }
.LBB2_2:
0x29: {  	[sflag:s3] =	ssyncset.done $0x0  }
0x2a: {  	[sflag:s3] =	ssyncadd.s32 $0xFFFFF000  }
0x2b: {  	_ =	sfence.sel $0x180000  }
0x2c: {  	[bflag:$0x0] =	sbarrier.arrive $0xFFFF  }
0x2d: {  	p0 =	sne.s32 s0, $0x0;
	_ =	strace $0x90000047  }
0x2e: {  	s0 =	sadd.s32 @!p0 $0x100000, s1;
	[bflag:$0x2] =	sbarrier.arrive $0xFFFF  }
0x2f: {  	[sflag:s0] =	ssyncadd.tile.s32 @!p0 $0x1;
	_ =	shalt  }
.Lfunc_end2:
_tile_overlayer_lowered:
.L_overlay_start_2:
0x30: {  	(tag) =	ssettag $0x2  }
0x31: {  	s0 =	rddreg [dreg:$0x0];
	s2 =	stileid.u32  }
0x32: {  	s1 =	rddreg [dreg:$0x1];
	p0 =	sne.s32 s2, $0x0  }
0x33: {  	s3 =	rddreg [dreg:$0x2];
	[bflag:$0x3] =	sbarrier.arrive $0xFFFF;
	s2 =	simm.s32 @!p0 $0x1C02  }
0x34: {  	[timem:s3], [sflag:s2] =	dma.local @!p0 [hbm:s0], s1  }
0x35: {  	s0 =	simm.s32 @!p0 $0x2  }
0x36: {  	_ =	swait.ge @!p0 [sflag:s0], s1  }
0x37: {  	s1 =	ssub.s32 @!p0 $0x0, s1;
	[sflag:s0] =	ssyncset.done @!p0 $0x0  }
0x38: {  	[sflag:s0] =	ssyncadd.s32 @!p0 s1  }
0x39: {  	[bflag:$0x3] =	sbarrier.arrive $0xFFFF  }
0x3a: {  	_ =	shalt  }

</sc_bundles>
